<compile_context>
chip_gen: v7x
topology: tpu7x:2x2x1
jax: 0.10.2.dev20260603
libtpu: 0.0.44.dev20260713+nightly
codegen_flags: <defaults>
</compile_context>

<pallas_src>
import functools

import jax
import jax.numpy as jnp
from jax import lax
from jax.experimental import pallas as pl
from jax.experimental.pallas import tpu as pltpu
from jax.experimental.pallas import tpu_sc as plsc

_B = 128
_NCLF = 64
_NCLS = 10
_HID = _NCLF * _NCLS * 2
_F32 = jnp.float32


def _start(src, dst, sem):
    c = pltpu.make_async_copy(src, dst, sem)
    c.start()
    return c


def _dg(a, b, dims):
    return lax.dot_general(a, b, (dims, ((), ())),
                           preferred_element_type=_F32)


def _act_kernel(fcb_h, lpwt_h, lpb_h, bb1_h, bw2t_h, bb2_h,
                sel_ref, clp_ref, bt_ref, idxw_ref, idxe_ref,
                fcb_v, lpwt_v, lpb_v, bb1_v, bw2t_v, bb2_v, sems):
    c_fcb = _start(fcb_h, fcb_v, sems.at[0])
    c_lpw = _start(lpwt_h, lpwt_v, sems.at[1])
    c_lpb = _start(lpb_h, lpb_v, sems.at[2])
    c_bb1 = _start(bb1_h, bb1_v, sems.at[3])
    c_bw2 = _start(bw2t_h, bw2t_v, sems.at[4])
    c_bb2 = _start(bb2_h, bb2_v, sems.at[5])

    c_fcb.wait(); c_lpw.wait(); c_lpb.wait()
    feat = jnp.maximum(fcb_v[...], 0.0)
    alog = _dg(feat, lpwt_v[...], ((1,), (1,))) + lpb_v[...]
    m = jnp.max(alog, axis=1, keepdims=True)
    aiota = lax.broadcasted_iota(jnp.int32, alog.shape, 1)
    sel2 = jnp.min(jnp.where(alog == m, aiota, _NCLF), axis=1, keepdims=True)
    sel = sel2[0, 0]
    lse = m + jnp.log(jnp.sum(jnp.exp(alog - m), axis=1, keepdims=True))
    sel_ref[...] = jnp.broadcast_to(sel2, (1, _B))
    clp_ref[...] = jnp.broadcast_to(m - lse, (1, _B))

    base = sel * _NCLS
    kk = lax.broadcasted_iota(jnp.int32, (1, 32), 1)
    r = jnp.minimum(jnp.where(kk >= 16, kk - 16, kk), _NCLS - 1)
    idxw_ref[...] = base + r + jnp.where(kk >= 16, _HID // 2, 0)
    ke = lax.broadcasted_iota(jnp.int32, (1, 16), 1)
    idxe_ref[...] = jnp.minimum(ke, _NCLS - 1) * _NCLF + sel

    c_bb1.wait(); c_bw2.wait(); c_bb2.wait()
    bt = jnp.sum(jnp.maximum(bb1_v[...], 0.0) * bw2t_v[...],
                 axis=1, keepdims=True) + bb2_v[...]
    bt_ref[...] = jnp.broadcast_to(bt, (1, _B))


def _sc_gather(idxw_h, idxe_h, w1_h, sw1_h, env_h, w1g_o, sw1g_o, envg_o,
               idxw_v, idxe_v, w1r_v, sw1r_v, envr_v, sem):
    wid = lax.axis_index("s") * 2 + lax.axis_index("c")

    @pl.when(wid == 0)
    def _():
        pltpu.sync_copy(idxw_h, idxw_v)
        pltpu.async_copy(w1_h.at[idxw_v], w1r_v, sem).wait()
        pltpu.sync_copy(w1r_v, w1g_o)

    @pl.when(wid == 1)
    def _():
        pltpu.sync_copy(idxw_h, idxw_v)
        pltpu.async_copy(sw1_h.at[idxw_v], sw1r_v, sem).wait()
        pltpu.sync_copy(sw1r_v, sw1g_o)

    @pl.when(wid == 2)
    def _():
        pltpu.sync_copy(idxe_h, idxe_v)
        pltpu.async_copy(env_h.at[idxe_v], envr_v, sem).wait()
        pltpu.sync_copy(envr_v, envg_o)


def _dense_kernel(envg_h, w1g_h, sw1g_h, b1_h, w2_h, b2_h, w3t_h, b3_h,
                  sb1_h, sw2t_h, sb2_h, logt_ref, lpt_ref, stop_ref,
                  slp_ref, envg_v, w1g_v, sw1g_v, b1_v, w2_v, b2_v, w3t_v,
                  b3_v, sb1_v, sw2t_v, sb2_v, sems):
    c_env = _start(envg_h, envg_v, sems.at[0])
    c_w1 = _start(w1g_h, w1g_v, sems.at[1])
    c_sw1 = _start(sw1g_h, sw1g_v, sems.at[2])
    c_b1 = _start(b1_h, b1_v, sems.at[3])
    c_w2 = _start(w2_h, w2_v, sems.at[4])
    c_b2 = _start(b2_h, b2_v, sems.at[5])
    c_w3 = _start(w3t_h, w3t_v, sems.at[6])
    c_b3 = _start(b3_h, b3_v, sems.at[7])
    c_sb1 = _start(sb1_h, sb1_v, sems.at[8])
    c_sw2 = _start(sw2t_h, sw2t_v, sems.at[9])
    c_sb2 = _start(sb2_h, sb2_v, sems.at[10])

    ones_r = jnp.ones((1, _B), _F32)
    ones10 = jnp.ones((_NCLS, _B), _F32)

    c_env.wait(); c_w1.wait(); c_b1.wait(); c_w2.wait(); c_b2.wait()
    c_w3.wait(); c_b3.wait()
    envt = envg_v[...][0:_NCLS, :]
    w1g = w1g_v[...]
    x = _dg(w1g[0:_NCLS, :], envt, ((0,), (0,)))
    x = x + _dg(w1g[16:16 + _NCLS, :], ones10, ((0,), (0,)))
    x = jnp.maximum(x + _dg(b1_v[...], ones_r, ((0,), (0,))), 0.0)
    x = _dg(w2_v[...], x, ((0,), (0,)))
    x = jnp.maximum(x + _dg(b2_v[...], ones_r, ((0,), (0,))), 0.0)
    logt = _dg(w3t_v[...], x, ((1,), (0,)))
    logt = logt + _dg(b3_v[...], ones_r, ((0,), (0,)))
    logt_ref[...] = logt
    lm = jnp.max(logt, axis=0, keepdims=True)
    llse = lm + jnp.log(jnp.sum(jnp.exp(logt - lm), axis=0, keepdims=True))
    lpt_ref[...] = logt - llse

    c_sw1.wait(); c_sb1.wait(); c_sw2.wait(); c_sb2.wait()
    sw1g = sw1g_v[...]
    f2 = _dg(sw1g[0:_NCLS, :], envt, ((0,), (0,)))
    f2 = f2 + _dg(sw1g[16:16 + _NCLS, :], ones10, ((0,), (0,)))
    f2 = jnp.maximum(f2 + _dg(sb1_v[...], ones_r, ((0,), (0,))), 0.0)
    sot = _dg(sw2t_v[...], f2, ((1,), (0,)))
    sot = sot + _dg(sb2_v[...], ones_r, ((0,), (0,)))
    s0r = sot[0:1, :]
    s1r = sot[1:2, :]
    stop_ref[...] = jnp.where(s0r >= s1r, 0, 1)
    sm = jnp.maximum(s0r, s1r)
    slse = sm + jnp.log(jnp.exp(s0r - sm) + jnp.exp(s1r - sm))
    slp_ref[...] = sm - slse


def kernel(cifar_env_response, act_fc_w, act_fc_b, act_lp_w, act_lp_b,
           base_w1, base_b1, base_w2, base_b2, cls_w1, cls_b1, cls_w2,
           cls_b2, cls_w3, cls_b3, stop_w1, stop_b1, stop_w2, stop_b2):
    del act_fc_w, base_w1
    anym = pl.BlockSpec(memory_space=pl.MemorySpace.ANY)
    i32 = jnp.int32

    sel2, clp2, bt2, idxw, idxe = pl.pallas_call(
        _act_kernel,
        in_specs=[anym] * 6,
        out_specs=[pl.BlockSpec(memory_space=pltpu.VMEM)] * 5,
        out_shape=[
            jax.ShapeDtypeStruct((1, _B), i32),
            jax.ShapeDtypeStruct((1, _B), _F32),
            jax.ShapeDtypeStruct((1, _B), _F32),
            jax.ShapeDtypeStruct((1, 32), i32),
            jax.ShapeDtypeStruct((1, 16), i32),
        ],
        scratch_shapes=[
            pltpu.VMEM((1, 512), _F32),
            pltpu.VMEM((_NCLF, 512), _F32),
            pltpu.VMEM((1, _NCLF), _F32),
            pltpu.VMEM((1, 128), _F32),
            pltpu.VMEM((1, 128), _F32),
            pltpu.VMEM((1, 1), _F32),
            pltpu.SemaphoreType.DMA((6,)),
        ],
    )(act_fc_b.reshape(1, -1), act_lp_w.T, act_lp_b.reshape(1, -1),
      base_b1.reshape(1, -1), base_w2.T, base_b2.reshape(1, 1))

    envt2d = jnp.transpose(cifar_env_response, (2, 1, 0)).reshape(
        _NCLS * _NCLF, _B)

    sc = functools.partial(
        pl.kernel,
        out_type=[
            jax.ShapeDtypeStruct((32, 256), _F32),
            jax.ShapeDtypeStruct((32, 640), _F32),
            jax.ShapeDtypeStruct((16, _B), _F32),
        ],
        mesh=plsc.VectorSubcoreMesh(core_axis_name="c", subcore_axis_name="s"),
        scratch_types=[
            pltpu.VMEM((32,), i32),
            pltpu.VMEM((16,), i32),
            pltpu.VMEM((32, 256), _F32),
            pltpu.VMEM((32, 640), _F32),
            pltpu.VMEM((16, _B), _F32),
            pltpu.SemaphoreType.DMA,
        ],
    )(_sc_gather)
    w1g, sw1g, envg = sc(idxw.reshape(32), idxe.reshape(16), cls_w1,
                         stop_w1, envt2d)

    logt, lpt, stop2, slp2 = pl.pallas_call(
        _dense_kernel,
        in_specs=[anym] * 11,
        out_specs=[pl.BlockSpec(memory_space=pltpu.VMEM)] * 4,
        out_shape=[
            jax.ShapeDtypeStruct((_NCLS, _B), _F32),
            jax.ShapeDtypeStruct((_NCLS, _B), _F32),
            jax.ShapeDtypeStruct((1, _B), i32),
            jax.ShapeDtypeStruct((1, _B), _F32),
        ],
        scratch_shapes=[
            pltpu.VMEM((16, _B), _F32),
            pltpu.VMEM((32, 256), _F32),
            pltpu.VMEM((32, 640), _F32),
            pltpu.VMEM((1, 256), _F32),
            pltpu.VMEM((256, 256), _F32),
            pltpu.VMEM((1, 256), _F32),
            pltpu.VMEM((_NCLS, 256), _F32),
            pltpu.VMEM((1, _NCLS), _F32),
            pltpu.VMEM((1, 640), _F32),
            pltpu.VMEM((2, 640), _F32),
            pltpu.VMEM((1, 2), _F32),
            pltpu.SemaphoreType.DMA((11,)),
        ],
    )(envg, w1g, sw1g, cls_b1.reshape(1, -1), cls_w2, cls_b2.reshape(1, -1),
      cls_w3.T, cls_b3.reshape(1, -1), stop_b1.reshape(1, -1), stop_w2.T,
      stop_b2.reshape(1, -1))

    return (logt.T, lpt.T, clp2.reshape(_B), bt2.reshape(_B),
            slp2.reshape(_B), sel2.reshape(_B), stop2.reshape(_B))

# --- scband reference (transcript-rebuilt; emitter-appended) ---
"""Pipeline reference for scband-lac-model-54640573940201 (READ-ONLY COPY).

The authoritative reference and input builder live on the scoring server;
editing this copy changes nothing except your own understanding.
"""

import jax, jax.numpy as jnp
import numpy as np

B = 128
NCLF = 64
NCLS = 10
HID = NCLF * NCLS * 2
AH = 512

def _lin(k, fan_in, fan_out):
    kw, kb = jax.random.split(k)
    w = jax.random.normal(kw, (fan_in, fan_out), jnp.float32) * (1.0 / np.sqrt(fan_in))
    b = jnp.full((fan_out,), 0.1, jnp.float32)
    return w, b

def setup_inputs(seed: int = 0):
    key = jax.random.key(seed)
    ks = jax.random.split(key, 10)
    inp = {}
    inp["cifar_env_response"] = jax.random.normal(ks[0], (B, NCLF, NCLS), jnp.float32)
    inp["act_fc_w"], inp["act_fc_b"] = _lin(ks[1], HID, AH)
    inp["act_lp_w"], inp["act_lp_b"] = _lin(ks[2], AH, NCLF)
    inp["base_w1"], inp["base_b1"] = _lin(ks[3], HID, 128)
    inp["base_w2"], inp["base_b2"] = _lin(ks[4], 128, 1)
    inp["cls_w1"], inp["cls_b1"] = _lin(ks[5], HID, 256)
    inp["cls_w2"], inp["cls_b2"] = _lin(ks[6], 256, 256)
    inp["cls_w3"], inp["cls_b3"] = _lin(ks[7], 256, NCLS)
    inp["stop_w1"], inp["stop_b1"] = _lin(ks[8], HID + 64, HID // 2)
    inp["stop_w2"], inp["stop_b2"] = _lin(ks[9], HID // 2, 2)
    return inp

def reference(cifar_env_response, act_fc_w, act_fc_b, act_lp_w, act_lp_b, base_w1, base_b1, base_w2, base_b2, cls_w1, cls_b1, cls_w2, cls_b2, cls_w3, cls_b3, stop_w1, stop_b1, stop_w2, stop_b2):
    # initial state: zero response table + zero mask, flattened
    h_t = jnp.zeros((B, HID), jnp.float32)
    hd = jax.lax.stop_gradient(h_t)  # h_t.detach()
    # action_generator (eval path: argmax)
    feat = jax.nn.relu(hd @ act_fc_w + act_fc_b)
    action_logits = feat @ act_lp_w + act_lp_b
    actions_log_prob = jax.nn.log_softmax(action_logits, axis=1)
    selected = jnp.argmax(action_logits, axis=1)
    classifier_log_prob = jnp.take_along_axis(actions_log_prob, selected[:, None], axis=1).squeeze(1)
    # baseline network (dropout is identity in eval)
    b_t = (jax.nn.relu(hd @ base_w1 + base_b1) @ base_w2 + base_b2).squeeze(-1)
    # gather environment response for selected classifier
    idx = jnp.broadcast_to(selected[:, None, None], (B, 1, NCLS))
    env_response = jnp.take_along_axis(cifar_env_response, idx, axis=1).squeeze(1)
    # state_refresher: scatter-overwrite response table and mask
    rows = jnp.arange(B)
    responses = jnp.zeros((B, NCLF, NCLS), jnp.float32).at[rows, selected].set(env_response)
    mask = jnp.zeros((B, NCLF, NCLS), jnp.float32).at[rows, selected].set(1.0)
    h_t_new = jnp.concatenate([responses.reshape(B, -1), mask.reshape(B, -1)], axis=1)
    # descision_maker_deep
    x = jax.nn.relu(h_t_new @ cls_w1 + cls_b1)
    x = jax.nn.relu(x @ cls_w2 + cls_b2)
    logits = x @ cls_w3 + cls_b3
    log_prob = jax.nn.log_softmax(logits, axis=1)
    # stop network (eval path: argmax)
    h_t2 = jnp.zeros((B, 64), jnp.float32)
    h_t3 = jnp.concatenate([jax.lax.stop_gradient(h_t_new), h_t2], axis=1)
    feat2 = jax.nn.relu(h_t3 @ stop_w1 + stop_b1)
    stop_output = feat2 @ stop_w2 + stop_b2
    stop_lp_all = jax.nn.log_softmax(stop_output, axis=1)
    stop = jnp.argmax(stop_lp_all, axis=1)
    stop_log_prob = jnp.take_along_axis(stop_lp_all, stop[:, None], axis=1).squeeze(1)
    return (logits, log_prob, classifier_log_prob, b_t, stop_log_prob, selected, stop)

if __name__ == "__main__":
    import jax
    _d = setup_inputs()
    print(jax.jit(kernel)(*tuple(_d.values())))

</pallas_src>

<mosaic_0001>
#map = affine_map<(d0, d1) -> (0)>
#map1 = affine_map<(d0, d1) -> (0, 0)>
module attributes {stable_mosaic.version = 14 : i64} {
  func.func @_sc_gather(%arg0: i32, %arg1: i32, %arg2: memref<32xi32, #tpu.memory_space<hbm>>, %arg3: memref<16xi32, #tpu.memory_space<hbm>>, %arg4: memref<1280x256xf32, #tpu.memory_space<hbm>>, %arg5: memref<1344x640xf32, #tpu.memory_space<hbm>>, %arg6: memref<640x128xf32, #tpu.memory_space<hbm>>, %arg7: memref<32x256xf32, #tpu.memory_space<hbm>>, %arg8: memref<32x640xf32, #tpu.memory_space<hbm>>, %arg9: memref<16x128xf32, #tpu.memory_space<hbm>>, %arg10: memref<32xi32, #tpu.memory_space<vmem>>, %arg11: memref<16xi32, #tpu.memory_space<vmem>>, %arg12: memref<32x256xf32, #tpu.memory_space<vmem>>, %arg13: memref<32x640xf32, #tpu.memory_space<vmem>>, %arg14: memref<16x128xf32, #tpu.memory_space<vmem>>, %arg15: memref<!tpu.dma_semaphore, #tpu.memory_space<semaphore_mem>>) attributes {dimension_semantics = [#tpu.dimension_semantics<core_parallel>, #tpu.dimension_semantics<subcore_parallel>], iteration_bounds = array<i64: 2, 16>, scalar_prefetch = 0 : i64, scratch_operands = 6 : i64, tpu.core_type = #tpu.core_type<sc_vector_subcore>, window_params = [{transform_indices = #map}, {transform_indices = #map}, {transform_indices = #map1}, {transform_indices = #map1}, {transform_indices = #map1}, {transform_indices = #map1}, {transform_indices = #map1}, {transform_indices = #map1}]} {
    %mul3A = arith.constant 2 : i32
    %mul3A_0 = arith.muli %arg1, %mul3A : i32
    %add3A = arith.addi %mul3A_0, %arg0 : i32
    %eq3A = arith.constant 0 : i32
    %eq3A_1 = arith.cmpi eq, %add3A, %eq3A : i32
    %convert_element_type3A = arith.extui %eq3A_1 : i1 to i32
    %cond3A = arith.constant 0 : i32
    %cond3A_2 = arith.cmpi ne, %convert_element_type3A, %cond3A : i32
    scf.if %cond3A_2 {
      "tpu.region"() ({
        %run_scoped3A = tpu.sem_alloc : memref<!tpu.dma_semaphore, #tpu.memory_space<semaphore_mem>>
        tpu.enqueue_dma source(%arg2 : memref<32xi32, #tpu.memory_space<hbm>>) target(%arg10 : memref<32xi32, #tpu.memory_space<vmem>>) target_semaphore(%run_scoped3A : memref<!tpu.dma_semaphore, #tpu.memory_space<semaphore_mem>>)
        tpu.wait_dma2 semaphore(%run_scoped3A : memref<!tpu.dma_semaphore, #tpu.memory_space<semaphore_mem>>) src(%arg2 : memref<32xi32, #tpu.memory_space<hbm>>) dst(%arg10 : memref<32xi32, #tpu.memory_space<vmem>>)
        tpu.yield
      }) : () -> ()
      %dma_start3A = arith.constant 0 : i32
      %dma_start3A_13 = arith.constant 0 : i32
      %dma_start3A_14 = tpu.memref_slice %arg4[%dma_start3A, %dma_start3A_13] : memref<1280x256xf32, #tpu.memory_space<hbm>> -> memref<1280x256xf32, #tpu.memory_space<hbm>>
      tpu.enqueue_indirect_dma source(%dma_start3A_14 : memref<1280x256xf32, #tpu.memory_space<hbm>>) target(%arg12 : memref<32x256xf32, #tpu.memory_space<vmem>>) offsets(%arg10 : memref<32xi32, #tpu.memory_space<vmem>>) semaphore(%arg15 : memref<!tpu.dma_semaphore, #tpu.memory_space<semaphore_mem>>)
      %dma_wait3A = arith.constant 0 : i32
      %dma_wait3A_15 = arith.constant 0 : i32
      %dma_wait3A_16 = tpu.memref_slice %arg4[%dma_wait3A, %dma_wait3A_15] : memref<1280x256xf32, #tpu.memory_space<hbm>> -> memref<1280x256xf32, #tpu.memory_space<hbm>>
      tpu.wait_indirect_dma semaphore(%arg15 : memref<!tpu.dma_semaphore, #tpu.memory_space<semaphore_mem>>) src(%dma_wait3A_16 : memref<1280x256xf32, #tpu.memory_space<hbm>>) dst(%arg12 : memref<32x256xf32, #tpu.memory_space<vmem>>)
      "tpu.region"() ({
        %run_scoped3A = tpu.sem_alloc : memref<!tpu.dma_semaphore, #tpu.memory_space<semaphore_mem>>
        tpu.enqueue_dma source(%arg12 : memref<32x256xf32, #tpu.memory_space<vmem>>) target(%arg7 : memref<32x256xf32, #tpu.memory_space<hbm>>) target_semaphore(%run_scoped3A : memref<!tpu.dma_semaphore, #tpu.memory_space<semaphore_mem>>)
        tpu.wait_dma2 semaphore(%run_scoped3A : memref<!tpu.dma_semaphore, #tpu.memory_space<semaphore_mem>>) src(%arg12 : memref<32x256xf32, #tpu.memory_space<vmem>>) dst(%arg7 : memref<32x256xf32, #tpu.memory_space<hbm>>)
        tpu.yield
      }) : () -> ()
    } else {
    }
    %eq3A_3 = arith.constant 1 : i32
    %eq3A_4 = arith.cmpi eq, %add3A, %eq3A_3 : i32
    %convert_element_type3A_5 = arith.extui %eq3A_4 : i1 to i32
    %cond3A_6 = arith.constant 0 : i32
    %cond3A_7 = arith.cmpi ne, %convert_element_type3A_5, %cond3A_6 : i32
    scf.if %cond3A_7 {
      "tpu.region"() ({
        %run_scoped3A = tpu.sem_alloc : memref<!tpu.dma_semaphore, #tpu.memory_space<semaphore_mem>>
        tpu.enqueue_dma source(%arg2 : memref<32xi32, #tpu.memory_space<hbm>>) target(%arg10 : memref<32xi32, #tpu.memory_space<vmem>>) target_semaphore(%run_scoped3A : memref<!tpu.dma_semaphore, #tpu.memory_space<semaphore_mem>>)
        tpu.wait_dma2 semaphore(%run_scoped3A : memref<!tpu.dma_semaphore, #tpu.memory_space<semaphore_mem>>) src(%arg2 : memref<32xi32, #tpu.memory_space<hbm>>) dst(%arg10 : memref<32xi32, #tpu.memory_space<vmem>>)
        tpu.yield
      }) : () -> ()
      %dma_start3A = arith.constant 0 : i32
      %dma_start3A_13 = arith.constant 0 : i32
      %dma_start3A_14 = tpu.memref_slice %arg5[%dma_start3A, %dma_start3A_13] : memref<1344x640xf32, #tpu.memory_space<hbm>> -> memref<1344x640xf32, #tpu.memory_space<hbm>>
      tpu.enqueue_indirect_dma source(%dma_start3A_14 : memref<1344x640xf32, #tpu.memory_space<hbm>>) target(%arg13 : memref<32x640xf32, #tpu.memory_space<vmem>>) offsets(%arg10 : memref<32xi32, #tpu.memory_space<vmem>>) semaphore(%arg15 : memref<!tpu.dma_semaphore, #tpu.memory_space<semaphore_mem>>)
      %dma_wait3A = arith.constant 0 : i32
      %dma_wait3A_15 = arith.constant 0 : i32
      %dma_wait3A_16 = tpu.memref_slice %arg5[%dma_wait3A, %dma_wait3A_15] : memref<1344x640xf32, #tpu.memory_space<hbm>> -> memref<1344x640xf32, #tpu.memory_space<hbm>>
      tpu.wait_indirect_dma semaphore(%arg15 : memref<!tpu.dma_semaphore, #tpu.memory_space<semaphore_mem>>) src(%dma_wait3A_16 : memref<1344x640xf32, #tpu.memory_space<hbm>>) dst(%arg13 : memref<32x640xf32, #tpu.memory_space<vmem>>)
      "tpu.region"() ({
        %run_scoped3A = tpu.sem_alloc : memref<!tpu.dma_semaphore, #tpu.memory_space<semaphore_mem>>
        tpu.enqueue_dma source(%arg13 : memref<32x640xf32, #tpu.memory_space<vmem>>) target(%arg8 : memref<32x640xf32, #tpu.memory_space<hbm>>) target_semaphore(%run_scoped3A : memref<!tpu.dma_semaphore, #tpu.memory_space<semaphore_mem>>)
        tpu.wait_dma2 semaphore(%run_scoped3A : memref<!tpu.dma_semaphore, #tpu.memory_space<semaphore_mem>>) src(%arg13 : memref<32x640xf32, #tpu.memory_space<vmem>>) dst(%arg8 : memref<32x640xf32, #tpu.memory_space<hbm>>)
        tpu.yield
      }) : () -> ()
    } else {
    }
    %eq3A_8 = arith.constant 2 : i32
    %eq3A_9 = arith.cmpi eq, %add3A, %eq3A_8 : i32
    %convert_element_type3A_10 = arith.extui %eq3A_9 : i1 to i32
    %cond3A_11 = arith.constant 0 : i32
    %cond3A_12 = arith.cmpi ne, %convert_element_type3A_10, %cond3A_11 : i32
    scf.if %cond3A_12 {
      "tpu.region"() ({
        %run_scoped3A = tpu.sem_alloc : memref<!tpu.dma_semaphore, #tpu.memory_space<semaphore_mem>>
        tpu.enqueue_dma source(%arg3 : memref<16xi32, #tpu.memory_space<hbm>>) target(%arg11 : memref<16xi32, #tpu.memory_space<vmem>>) target_semaphore(%run_scoped3A : memref<!tpu.dma_semaphore, #tpu.memory_space<semaphore_mem>>)
        tpu.wait_dma2 semaphore(%run_scoped3A : memref<!tpu.dma_semaphore, #tpu.memory_space<semaphore_mem>>) src(%arg3 : memref<16xi32, #tpu.memory_space<hbm>>) dst(%arg11 : memref<16xi32, #tpu.memory_space<vmem>>)
        tpu.yield
      }) : () -> ()
      %dma_start3A = arith.constant 0 : i32
      %dma_start3A_13 = arith.constant 0 : i32
      %dma_start3A_14 = tpu.memref_slice %arg6[%dma_start3A, %dma_start3A_13] : memref<640x128xf32, #tpu.memory_space<hbm>> -> memref<640x128xf32, #tpu.memory_space<hbm>>
      tpu.enqueue_indirect_dma source(%dma_start3A_14 : memref<640x128xf32, #tpu.memory_space<hbm>>) target(%arg14 : memref<16x128xf32, #tpu.memory_space<vmem>>) offsets(%arg11 : memref<16xi32, #tpu.memory_space<vmem>>) semaphore(%arg15 : memref<!tpu.dma_semaphore, #tpu.memory_space<semaphore_mem>>)
      %dma_wait3A = arith.constant 0 : i32
      %dma_wait3A_15 = arith.constant 0 : i32
      %dma_wait3A_16 = tpu.memref_slice %arg6[%dma_wait3A, %dma_wait3A_15] : memref<640x128xf32, #tpu.memory_space<hbm>> -> memref<640x128xf32, #tpu.memory_space<hbm>>
      tpu.wait_indirect_dma semaphore(%arg15 : memref<!tpu.dma_semaphore, #tpu.memory_space<semaphore_mem>>) src(%dma_wait3A_16 : memref<640x128xf32, #tpu.memory_space<hbm>>) dst(%arg14 : memref<16x128xf32, #tpu.memory_space<vmem>>)
      "tpu.region"() ({
        %run_scoped3A = tpu.sem_alloc : memref<!tpu.dma_semaphore, #tpu.memory_space<semaphore_mem>>
        tpu.enqueue_dma source(%arg14 : memref<16x128xf32, #tpu.memory_space<vmem>>) target(%arg9 : memref<16x128xf32, #tpu.memory_space<hbm>>) target_semaphore(%run_scoped3A : memref<!tpu.dma_semaphore, #tpu.memory_space<semaphore_mem>>)
        tpu.wait_dma2 semaphore(%run_scoped3A : memref<!tpu.dma_semaphore, #tpu.memory_space<semaphore_mem>>) src(%arg14 : memref<16x128xf32, #tpu.memory_space<vmem>>) dst(%arg9 : memref<16x128xf32, #tpu.memory_space<hbm>>)
        tpu.yield
      }) : () -> ()
    } else {
    }
    return
  }
}

module attributes {stable_mosaic.version = 14 : i64} {
  func.func @_act_kernel(%arg0: memref<1x512xf32, #tpu.memory_space<any>>, %arg1: memref<64x512xf32, #tpu.memory_space<any>>, %arg2: memref<1x64xf32, #tpu.memory_space<any>>, %arg3: memref<1x128xf32, #tpu.memory_space<any>>, %arg4: memref<1x128xf32, #tpu.memory_space<any>>, %arg5: memref<1x1xf32, #tpu.memory_space<any>>, %arg6: memref<1x128xi32, #tpu.memory_space<vmem>>, %arg7: memref<1x128xf32, #tpu.memory_space<vmem>>, %arg8: memref<1x128xf32, #tpu.memory_space<vmem>>, %arg9: memref<1x32xi32, #tpu.memory_space<vmem>>, %arg10: memref<1x16xi32, #tpu.memory_space<vmem>>, %arg11: memref<1x512xf32, #tpu.memory_space<vmem>>, %arg12: memref<64x512xf32, #tpu.memory_space<vmem>>, %arg13: memref<1x64xf32, #tpu.memory_space<vmem>>, %arg14: memref<1x128xf32, #tpu.memory_space<vmem>>, %arg15: memref<1x128xf32, #tpu.memory_space<vmem>>, %arg16: memref<1x1xf32, #tpu.memory_space<vmem>>, %arg17: memref<6x!tpu.dma_semaphore, #tpu.memory_space<semaphore_mem>>) attributes {dimension_semantics = [], scalar_prefetch = 0 : i64, scratch_operands = 7 : i64, tpu.core_type = #tpu.core_type<tc>} {
    %dma_start3A = arith.constant 0 : i32
    %dma_start3A_0 = tpu.memref_slice %arg17[%dma_start3A] : memref<6x!tpu.dma_semaphore, #tpu.memory_space<semaphore_mem>> -> memref<1x!tpu.dma_semaphore, #tpu.memory_space<semaphore_mem>>
    %dma_start3A_1 = tpu.memref_squeeze %dma_start3A_0 : memref<1x!tpu.dma_semaphore, #tpu.memory_space<semaphore_mem>> -> memref<!tpu.dma_semaphore, #tpu.memory_space<semaphore_mem>>
    tpu.enqueue_dma source(%arg0 : memref<1x512xf32, #tpu.memory_space<any>>) target(%arg11 : memref<1x512xf32, #tpu.memory_space<vmem>>) target_semaphore(%dma_start3A_1 : memref<!tpu.dma_semaphore, #tpu.memory_space<semaphore_mem>>)
    %dma_start3A_2 = arith.constant 1 : i32
    %dma_start3A_3 = tpu.memref_slice %arg17[%dma_start3A_2] : memref<6x!tpu.dma_semaphore, #tpu.memory_space<semaphore_mem>> -> memref<1x!tpu.dma_semaphore, #tpu.memory_space<semaphore_mem>>
    %dma_start3A_4 = tpu.memref_squeeze %dma_start3A_3 : memref<1x!tpu.dma_semaphore, #tpu.memory_space<semaphore_mem>> -> memref<!tpu.dma_semaphore, #tpu.memory_space<semaphore_mem>>
    tpu.enqueue_dma source(%arg1 : memref<64x512xf32, #tpu.memory_space<any>>) target(%arg12 : memref<64x512xf32, #tpu.memory_space<vmem>>) target_semaphore(%dma_start3A_4 : memref<!tpu.dma_semaphore, #tpu.memory_space<semaphore_mem>>)
    %dma_start3A_5 = arith.constant 2 : i32
    %dma_start3A_6 = tpu.memref_slice %arg17[%dma_start3A_5] : memref<6x!tpu.dma_semaphore, #tpu.memory_space<semaphore_mem>> -> memref<1x!tpu.dma_semaphore, #tpu.memory_space<semaphore_mem>>
    %dma_start3A_7 = tpu.memref_squeeze %dma_start3A_6 : memref<1x!tpu.dma_semaphore, #tpu.memory_space<semaphore_mem>> -> memref<!tpu.dma_semaphore, #tpu.memory_space<semaphore_mem>>
    tpu.enqueue_dma source(%arg2 : memref<1x64xf32, #tpu.memory_space<any>>) target(%arg13 : memref<1x64xf32, #tpu.memory_space<vmem>>) target_semaphore(%dma_start3A_7 : memref<!tpu.dma_semaphore, #tpu.memory_space<semaphore_mem>>)
    %dma_start3A_8 = arith.constant 3 : i32
    %dma_start3A_9 = tpu.memref_slice %arg17[%dma_start3A_8] : memref<6x!tpu.dma_semaphore, #tpu.memory_space<semaphore_mem>> -> memref<1x!tpu.dma_semaphore, #tpu.memory_space<semaphore_mem>>
    %dma_start3A_10 = tpu.memref_squeeze %dma_start3A_9 : memref<1x!tpu.dma_semaphore, #tpu.memory_space<semaphore_mem>> -> memref<!tpu.dma_semaphore, #tpu.memory_space<semaphore_mem>>
    tpu.enqueue_dma source(%arg3 : memref<1x128xf32, #tpu.memory_space<any>>) target(%arg14 : memref<1x128xf32, #tpu.memory_space<vmem>>) target_semaphore(%dma_start3A_10 : memref<!tpu.dma_semaphore, #tpu.memory_space<semaphore_mem>>)
    %dma_start3A_11 = arith.constant 4 : i32
    %dma_start3A_12 = tpu.memref_slice %arg17[%dma_start3A_11] : memref<6x!tpu.dma_semaphore, #tpu.memory_space<semaphore_mem>> -> memref<1x!tpu.dma_semaphore, #tpu.memory_space<semaphore_mem>>
    %dma_start3A_13 = tpu.memref_squeeze %dma_start3A_12 : memref<1x!tpu.dma_semaphore, #tpu.memory_space<semaphore_mem>> -> memref<!tpu.dma_semaphore, #tpu.memory_space<semaphore_mem>>
    tpu.enqueue_dma source(%arg4 : memref<1x128xf32, #tpu.memory_space<any>>) target(%arg15 : memref<1x128xf32, #tpu.memory_space<vmem>>) target_semaphore(%dma_start3A_13 : memref<!tpu.dma_semaphore, #tpu.memory_space<semaphore_mem>>)
    %dma_start3A_14 = arith.constant 5 : i32
    %dma_start3A_15 = tpu.memref_slice %arg17[%dma_start3A_14] : memref<6x!tpu.dma_semaphore, #tpu.memory_space<semaphore_mem>> -> memref<1x!tpu.dma_semaphore, #tpu.memory_space<semaphore_mem>>
    %dma_start3A_16 = tpu.memref_squeeze %dma_start3A_15 : memref<1x!tpu.dma_semaphore, #tpu.memory_space<semaphore_mem>> -> memref<!tpu.dma_semaphore, #tpu.memory_space<semaphore_mem>>
    tpu.enqueue_dma source(%arg5 : memref<1x1xf32, #tpu.memory_space<any>>) target(%arg16 : memref<1x1xf32, #tpu.memory_space<vmem>>) target_semaphore(%dma_start3A_16 : memref<!tpu.dma_semaphore, #tpu.memory_space<semaphore_mem>>)
    %dma_wait3A = arith.constant 0 : i32
    %dma_wait3A_17 = tpu.memref_slice %arg17[%dma_wait3A] : memref<6x!tpu.dma_semaphore, #tpu.memory_space<semaphore_mem>> -> memref<1x!tpu.dma_semaphore, #tpu.memory_space<semaphore_mem>>
    %dma_wait3A_18 = tpu.memref_squeeze %dma_wait3A_17 : memref<1x!tpu.dma_semaphore, #tpu.memory_space<semaphore_mem>> -> memref<!tpu.dma_semaphore, #tpu.memory_space<semaphore_mem>>
    tpu.wait_dma2 semaphore(%dma_wait3A_18 : memref<!tpu.dma_semaphore, #tpu.memory_space<semaphore_mem>>) src(%arg0 : memref<1x512xf32, #tpu.memory_space<any>>) dst(%arg11 : memref<1x512xf32, #tpu.memory_space<vmem>>)
    %dma_wait3A_19 = arith.constant 1 : i32
    %dma_wait3A_20 = tpu.memref_slice %arg17[%dma_wait3A_19] : memref<6x!tpu.dma_semaphore, #tpu.memory_space<semaphore_mem>> -> memref<1x!tpu.dma_semaphore, #tpu.memory_space<semaphore_mem>>
    %dma_wait3A_21 = tpu.memref_squeeze %dma_wait3A_20 : memref<1x!tpu.dma_semaphore, #tpu.memory_space<semaphore_mem>> -> memref<!tpu.dma_semaphore, #tpu.memory_space<semaphore_mem>>
    tpu.wait_dma2 semaphore(%dma_wait3A_21 : memref<!tpu.dma_semaphore, #tpu.memory_space<semaphore_mem>>) src(%arg1 : memref<64x512xf32, #tpu.memory_space<any>>) dst(%arg12 : memref<64x512xf32, #tpu.memory_space<vmem>>)
    %dma_wait3A_22 = arith.constant 2 : i32
    %dma_wait3A_23 = tpu.memref_slice %arg17[%dma_wait3A_22] : memref<6x!tpu.dma_semaphore, #tpu.memory_space<semaphore_mem>> -> memref<1x!tpu.dma_semaphore, #tpu.memory_space<semaphore_mem>>
    %dma_wait3A_24 = tpu.memref_squeeze %dma_wait3A_23 : memref<1x!tpu.dma_semaphore, #tpu.memory_space<semaphore_mem>> -> memref<!tpu.dma_semaphore, #tpu.memory_space<semaphore_mem>>
    tpu.wait_dma2 semaphore(%dma_wait3A_24 : memref<!tpu.dma_semaphore, #tpu.memory_space<semaphore_mem>>) src(%arg2 : memref<1x64xf32, #tpu.memory_space<any>>) dst(%arg13 : memref<1x64xf32, #tpu.memory_space<vmem>>)
    %get3A = arith.constant 0 : index
    %get3A_25 = arith.constant 0 : index
    %get3A_26 = vector.load %arg11[%get3A, %get3A_25] : memref<1x512xf32, #tpu.memory_space<vmem>>, vector<1x512xf32>
    %max3A = arith.constant 0.000000e+00 : f32
    %max3A_27 = vector.broadcast %max3A : f32 to vector<1x512xf32>
    %max3A_28 = arith.maximumf %get3A_26, %max3A_27 : vector<1x512xf32>
    %get3A_29 = arith.constant 0 : index
    %get3A_30 = arith.constant 0 : index
    %get3A_31 = vector.load %arg12[%get3A_29, %get3A_30] : memref<64x512xf32, #tpu.memory_space<vmem>>, vector<64x512xf32>
    %dot_general3A = arith.constant dense<0.000000e+00> : vector<1x64xf32>
    %dot_general3A_32 = tpu.matmul %max3A_28, %get3A_31, %dot_general3A {dimension_numbers = #tpu.dot_dimension_numbers<[1], [1], [0], [0], [0, 0, 1, 0], [], []>, transpose_lhs_hint = false} : vector<1x512xf32>, vector<64x512xf32>, vector<1x64xf32> -> vector<1x64xf32>
    %get3A_33 = arith.constant 0 : index
    %get3A_34 = arith.constant 0 : index
    %get3A_35 = vector.load %arg13[%get3A_33, %get3A_34] : memref<1x64xf32, #tpu.memory_space<vmem>>, vector<1x64xf32>
    %add3A = arith.addf %dot_general3A_32, %get3A_35 : vector<1x64xf32>
    %reduce_max3A = arith.constant dense<0xFF800000> : vector<1xf32>
    %reduce_max3A_36 = vector.multi_reduction <maximumf>, %add3A, %reduce_max3A [1] : vector<1x64xf32> to vector<1xf32>
    %broadcast_in_dim3A = vector.shape_cast %reduce_max3A_36 : vector<1xf32> to vector<1x1xf32>
    %iota3A = tpu.iota {dimensions = array<i32: 1>} : vector<1x64xi32>
    %eq3A = vector.broadcast %broadcast_in_dim3A : vector<1x1xf32> to vector<1x64xf32>
    %eq3A_37 = arith.cmpf oeq, %add3A, %eq3A : vector<1x64xf32>
    %jit3A = arith.constant 64 : i32
    %broadcast_in_dim3A_38 = vector.broadcast %jit3A : i32 to vector<1x64xi32>
    %select_n3A = arith.select %eq3A_37, %iota3A, %broadcast_in_dim3A_38 : vector<1x64xi1>, vector<1x64xi32>
    %reduce_min3A = arith.constant dense<2147483647> : vector<1xi32>
    %reduce_min3A_39 = vector.multi_reduction <minsi>, %select_n3A, %reduce_min3A [1] : vector<1x64xi32> to vector<1xi32>
    %broadcast_in_dim3A_40 = vector.shape_cast %reduce_min3A_39 : vector<1xi32> to vector<1x1xi32>
    %squeeze3A = vector.extract %broadcast_in_dim3A_40[0, 0] : i32 from vector<1x1xi32>
    %sub3A = vector.broadcast %broadcast_in_dim3A : vector<1x1xf32> to vector<1x64xf32>
    %sub3A_41 = arith.subf %add3A, %sub3A : vector<1x64xf32>
    %exp3A = math.exp %sub3A_41 : vector<1x64xf32>
    %reduce_sum3A = arith.constant dense<0.000000e+00> : vector<1xf32>
    %reduce_sum3A_42 = vector.multi_reduction <add>, %exp3A, %reduce_sum3A [1] : vector<1x64xf32> to vector<1xf32>
    %broadcast_in_dim3A_43 = vector.shape_cast %reduce_sum3A_42 : vector<1xf32> to vector<1x1xf32>
    %log3A = math.log %broadcast_in_dim3A_43 : vector<1x1xf32>
    %add3A_44 = arith.addf %broadcast_in_dim3A, %log3A : vector<1x1xf32>
    %broadcast_in_dim3A_45 = vector.shape_cast %broadcast_in_dim3A_40 : vector<1x1xi32> to vector<1x1xi32>
    %broadcast_in_dim3A_46 = vector.broadcast %broadcast_in_dim3A_45 : vector<1x1xi32> to vector<1x128xi32>
    %swap3A = arith.constant 0 : index
    %swap3A_47 = arith.constant 0 : index
    %swap3A_48 = vector.load %arg6[%swap3A, %swap3A_47] : memref<1x128xi32, #tpu.memory_space<vmem>>, vector<1x128xi32>
    tpu.vector_store %arg6[%swap3A, %swap3A_47], %broadcast_in_dim3A_46 {strides = array<i32>} : memref<1x128xi32, #tpu.memory_space<vmem>>, vector<1x128xi32>,
    %sub3A_49 = arith.subf %broadcast_in_dim3A, %add3A_44 : vector<1x1xf32>
    %broadcast_in_dim3A_50 = vector.shape_cast %sub3A_49 : vector<1x1xf32> to vector<1x1xf32>
    %broadcast_in_dim3A_51 = vector.broadcast %broadcast_in_dim3A_50 : vector<1x1xf32> to vector<1x128xf32>
    %swap3A_52 = arith.constant 0 : index
    %swap3A_53 = arith.constant 0 : index
    %swap3A_54 = vector.load %arg7[%swap3A_52, %swap3A_53] : memref<1x128xf32, #tpu.memory_space<vmem>>, vector<1x128xf32>
    tpu.vector_store %arg7[%swap3A_52, %swap3A_53], %broadcast_in_dim3A_51 {strides = array<i32>} : memref<1x128xf32, #tpu.memory_space<vmem>>, vector<1x128xf32>,
    %mul3A = arith.constant 10 : i32
    %mul3A_55 = arith.muli %squeeze3A, %mul3A : i32
    %iota3A_56 = tpu.iota {dimensions = array<i32: 1>} : vector<1x32xi32>
    %ge3A = arith.constant 16 : i32
    %ge3A_57 = vector.broadcast %ge3A : i32 to vector<1x32xi32>
    %ge3A_58 = arith.cmpi sge, %iota3A_56, %ge3A_57 : vector<1x32xi32>
    %sub3A_59 = arith.constant 16 : i32
    %sub3A_60 = vector.broadcast %sub3A_59 : i32 to vector<1x32xi32>
    %sub3A_61 = arith.subi %iota3A_56, %sub3A_60 : vector<1x32xi32>
    %select_n3A_62 = arith.select %ge3A_58, %sub3A_61, %iota3A_56 : vector<1x32xi1>, vector<1x32xi32>
    %min3A = arith.constant 9 : i32
    %min3A_63 = vector.broadcast %min3A : i32 to vector<1x32xi32>
    %min3A_64 = arith.minsi %select_n3A_62, %min3A_63 : vector<1x32xi32>
    %add3A_65 = vector.broadcast %mul3A_55 : i32 to vector<1x32xi32>
    %add3A_66 = arith.addi %add3A_65, %min3A_64 : vector<1x32xi32>
    %ge3A_67 = arith.constant 16 : i32
    %ge3A_68 = vector.broadcast %ge3A_67 : i32 to vector<1x32xi32>
    %ge3A_69 = arith.cmpi sge, %iota3A_56, %ge3A_68 : vector<1x32xi32>
    %jit3A_70 = arith.constant 640 : i32
    %jit3A_71 = arith.constant 0 : i32
    %broadcast_in_dim3A_72 = vector.broadcast %jit3A_70 : i32 to vector<1x32xi32>
    %broadcast_in_dim3A_73 = vector.broadcast %jit3A_71 : i32 to vector<1x32xi32>
    %select_n3A_74 = arith.select %ge3A_69, %broadcast_in_dim3A_72, %broadcast_in_dim3A_73 : vector<1x32xi1>, vector<1x32xi32>
    %add3A_75 = arith.addi %add3A_66, %select_n3A_74 : vector<1x32xi32>
    %swap3A_76 = arith.constant 0 : index
    %swap3A_77 = arith.constant 0 : index
    %swap3A_78 = vector.load %arg9[%swap3A_76, %swap3A_77] : memref<1x32xi32, #tpu.memory_space<vmem>>, vector<1x32xi32>
    tpu.vector_store %arg9[%swap3A_76, %swap3A_77], %add3A_75 {strides = array<i32>} : memref<1x32xi32, #tpu.memory_space<vmem>>, vector<1x32xi32>,
    %iota3A_79 = tpu.iota {dimensions = array<i32: 1>} : vector<1x16xi32>
    %min3A_80 = arith.constant 9 : i32
    %min3A_81 = vector.broadcast %min3A_80 : i32 to vector<1x16xi32>
    %min3A_82 = arith.minsi %iota3A_79, %min3A_81 : vector<1x16xi32>
    %mul3A_83 = arith.constant 64 : i32
    %mul3A_84 = vector.broadcast %mul3A_83 : i32 to vector<1x16xi32>
    %mul3A_85 = arith.muli %min3A_82, %mul3A_84 : vector<1x16xi32>
    %add3A_86 = vector.broadcast %squeeze3A : i32 to vector<1x16xi32>
    %add3A_87 = arith.addi %mul3A_85, %add3A_86 : vector<1x16xi32>
    %swap3A_88 = arith.constant 0 : index
    %swap3A_89 = arith.constant 0 : index
    %swap3A_90 = vector.load %arg10[%swap3A_88, %swap3A_89] : memref<1x16xi32, #tpu.memory_space<vmem>>, vector<1x16xi32>
    tpu.vector_store %arg10[%swap3A_88, %swap3A_89], %add3A_87 {strides = array<i32>} : memref<1x16xi32, #tpu.memory_space<vmem>>, vector<1x16xi32>,
    %dma_wait3A_91 = arith.constant 3 : i32
    %dma_wait3A_92 = tpu.memref_slice %arg17[%dma_wait3A_91] : memref<6x!tpu.dma_semaphore, #tpu.memory_space<semaphore_mem>> -> memref<1x!tpu.dma_semaphore, #tpu.memory_space<semaphore_mem>>
    %dma_wait3A_93 = tpu.memref_squeeze %dma_wait3A_92 : memref<1x!tpu.dma_semaphore, #tpu.memory_space<semaphore_mem>> -> memref<!tpu.dma_semaphore, #tpu.memory_space<semaphore_mem>>
    tpu.wait_dma2 semaphore(%dma_wait3A_93 : memref<!tpu.dma_semaphore, #tpu.memory_space<semaphore_mem>>) src(%arg3 : memref<1x128xf32, #tpu.memory_space<any>>) dst(%arg14 : memref<1x128xf32, #tpu.memory_space<vmem>>)
    %dma_wait3A_94 = arith.constant 4 : i32
    %dma_wait3A_95 = tpu.memref_slice %arg17[%dma_wait3A_94] : memref<6x!tpu.dma_semaphore, #tpu.memory_space<semaphore_mem>> -> memref<1x!tpu.dma_semaphore, #tpu.memory_space<semaphore_mem>>
    %dma_wait3A_96 = tpu.memref_squeeze %dma_wait3A_95 : memref<1x!tpu.dma_semaphore, #tpu.memory_space<semaphore_mem>> -> memref<!tpu.dma_semaphore, #tpu.memory_space<semaphore_mem>>
    tpu.wait_dma2 semaphore(%dma_wait3A_96 : memref<!tpu.dma_semaphore, #tpu.memory_space<semaphore_mem>>) src(%arg4 : memref<1x128xf32, #tpu.memory_space<any>>) dst(%arg15 : memref<1x128xf32, #tpu.memory_space<vmem>>)
    %dma_wait3A_97 = arith.constant 5 : i32
    %dma_wait3A_98 = tpu.memref_slice %arg17[%dma_wait3A_97] : memref<6x!tpu.dma_semaphore, #tpu.memory_space<semaphore_mem>> -> memref<1x!tpu.dma_semaphore, #tpu.memory_space<semaphore_mem>>
    %dma_wait3A_99 = tpu.memref_squeeze %dma_wait3A_98 : memref<1x!tpu.dma_semaphore, #tpu.memory_space<semaphore_mem>> -> memref<!tpu.dma_semaphore, #tpu.memory_space<semaphore_mem>>
    tpu.wait_dma2 semaphore(%dma_wait3A_99 : memref<!tpu.dma_semaphore, #tpu.memory_space<semaphore_mem>>) src(%arg5 : memref<1x1xf32, #tpu.memory_space<any>>) dst(%arg16 : memref<1x1xf32, #tpu.memory_space<vmem>>)
    %get3A_100 = arith.constant 0 : index
    %get3A_101 = arith.constant 0 : index
    %get3A_102 = vector.load %arg14[%get3A_100, %get3A_101] : memref<1x128xf32, #tpu.memory_space<vmem>>, vector<1x128xf32>
    %max3A_103 = arith.constant 0.000000e+00 : f32
    %max3A_104 = vector.broadcast %max3A_103 : f32 to vector<1x128xf32>
    %max3A_105 = arith.maximumf %get3A_102, %max3A_104 : vector<1x128xf32>
    %get3A_106 = arith.constant 0 : index
    %get3A_107 = arith.constant 0 : index
    %get3A_108 = vector.load %arg15[%get3A_106, %get3A_107] : memref<1x128xf32, #tpu.memory_space<vmem>>, vector<1x128xf32>
    %mul3A_109 = arith.mulf %max3A_105, %get3A_108 : vector<1x128xf32>
    %reduce_sum3A_110 = arith.constant dense<0.000000e+00> : vector<1xf32>
    %reduce_sum3A_111 = vector.multi_reduction <add>, %mul3A_109, %reduce_sum3A_110 [1] : vector<1x128xf32> to vector<1xf32>
    %broadcast_in_dim3A_112 = vector.shape_cast %reduce_sum3A_111 : vector<1xf32> to vector<1x1xf32>
    %get3A_113 = arith.constant 0 : index
    %get3A_114 = arith.constant 0 : index
    %get3A_115 = vector.load %arg16[%get3A_113, %get3A_114] : memref<1x1xf32, #tpu.memory_space<vmem>>, vector<1x1xf32>
    %add3A_116 = arith.addf %broadcast_in_dim3A_112, %get3A_115 : vector<1x1xf32>
    %broadcast_in_dim3A_117 = vector.shape_cast %add3A_116 : vector<1x1xf32> to vector<1x1xf32>
    %broadcast_in_dim3A_118 = vector.broadcast %broadcast_in_dim3A_117 : vector<1x1xf32> to vector<1x128xf32>
    %swap3A_119 = arith.constant 0 : index
    %swap3A_120 = arith.constant 0 : index
    %swap3A_121 = vector.load %arg8[%swap3A_119, %swap3A_120] : memref<1x128xf32, #tpu.memory_space<vmem>>, vector<1x128xf32>
    tpu.vector_store %arg8[%swap3A_119, %swap3A_120], %broadcast_in_dim3A_118 {strides = array<i32>} : memref<1x128xf32, #tpu.memory_space<vmem>>, vector<1x128xf32>,
    return
  }
}

module attributes {stable_mosaic.version = 14 : i64} {
  func.func @_dense_kernel(%arg0: memref<16x128xf32, #tpu.memory_space<any>>, %arg1: memref<32x256xf32, #tpu.memory_space<any>>, %arg2: memref<32x640xf32, #tpu.memory_space<any>>, %arg3: memref<1x256xf32, #tpu.memory_space<any>>, %arg4: memref<256x256xf32, #tpu.memory_space<any>>, %arg5: memref<1x256xf32, #tpu.memory_space<any>>, %arg6: memref<10x256xf32, #tpu.memory_space<any>>, %arg7: memref<1x10xf32, #tpu.memory_space<any>>, %arg8: memref<1x640xf32, #tpu.memory_space<any>>, %arg9: memref<2x640xf32, #tpu.memory_space<any>>, %arg10: memref<1x2xf32, #tpu.memory_space<any>>, %arg11: memref<10x128xf32, #tpu.memory_space<vmem>>, %arg12: memref<10x128xf32, #tpu.memory_space<vmem>>, %arg13: memref<1x128xi32, #tpu.memory_space<vmem>>, %arg14: memref<1x128xf32, #tpu.memory_space<vmem>>, %arg15: memref<16x128xf32, #tpu.memory_space<vmem>>, %arg16: memref<32x256xf32, #tpu.memory_space<vmem>>, %arg17: memref<32x640xf32, #tpu.memory_space<vmem>>, %arg18: memref<1x256xf32, #tpu.memory_space<vmem>>, %arg19: memref<256x256xf32, #tpu.memory_space<vmem>>, %arg20: memref<1x256xf32, #tpu.memory_space<vmem>>, %arg21: memref<10x256xf32, #tpu.memory_space<vmem>>, %arg22: memref<1x10xf32, #tpu.memory_space<vmem>>, %arg23: memref<1x640xf32, #tpu.memory_space<vmem>>, %arg24: memref<2x640xf32, #tpu.memory_space<vmem>>, %arg25: memref<1x2xf32, #tpu.memory_space<vmem>>, %arg26: memref<11x!tpu.dma_semaphore, #tpu.memory_space<semaphore_mem>>) attributes {dimension_semantics = [], scalar_prefetch = 0 : i64, scratch_operands = 12 : i64, tpu.core_type = #tpu.core_type<tc>} {
    %dma_start3A = arith.constant 0 : i32
    %dma_start3A_0 = tpu.memref_slice %arg26[%dma_start3A] : memref<11x!tpu.dma_semaphore, #tpu.memory_space<semaphore_mem>> -> memref<1x!tpu.dma_semaphore, #tpu.memory_space<semaphore_mem>>
    %dma_start3A_1 = tpu.memref_squeeze %dma_start3A_0 : memref<1x!tpu.dma_semaphore, #tpu.memory_space<semaphore_mem>> -> memref<!tpu.dma_semaphore, #tpu.memory_space<semaphore_mem>>
    tpu.enqueue_dma source(%arg0 : memref<16x128xf32, #tpu.memory_space<any>>) target(%arg15 : memref<16x128xf32, #tpu.memory_space<vmem>>) target_semaphore(%dma_start3A_1 : memref<!tpu.dma_semaphore, #tpu.memory_space<semaphore_mem>>)
    %dma_start3A_2 = arith.constant 1 : i32
    %dma_start3A_3 = tpu.memref_slice %arg26[%dma_start3A_2] : memref<11x!tpu.dma_semaphore, #tpu.memory_space<semaphore_mem>> -> memref<1x!tpu.dma_semaphore, #tpu.memory_space<semaphore_mem>>
    %dma_start3A_4 = tpu.memref_squeeze %dma_start3A_3 : memref<1x!tpu.dma_semaphore, #tpu.memory_space<semaphore_mem>> -> memref<!tpu.dma_semaphore, #tpu.memory_space<semaphore_mem>>
    tpu.enqueue_dma source(%arg1 : memref<32x256xf32, #tpu.memory_space<any>>) target(%arg16 : memref<32x256xf32, #tpu.memory_space<vmem>>) target_semaphore(%dma_start3A_4 : memref<!tpu.dma_semaphore, #tpu.memory_space<semaphore_mem>>)
    %dma_start3A_5 = arith.constant 2 : i32
    %dma_start3A_6 = tpu.memref_slice %arg26[%dma_start3A_5] : memref<11x!tpu.dma_semaphore, #tpu.memory_space<semaphore_mem>> -> memref<1x!tpu.dma_semaphore, #tpu.memory_space<semaphore_mem>>
    %dma_start3A_7 = tpu.memref_squeeze %dma_start3A_6 : memref<1x!tpu.dma_semaphore, #tpu.memory_space<semaphore_mem>> -> memref<!tpu.dma_semaphore, #tpu.memory_space<semaphore_mem>>
    tpu.enqueue_dma source(%arg2 : memref<32x640xf32, #tpu.memory_space<any>>) target(%arg17 : memref<32x640xf32, #tpu.memory_space<vmem>>) target_semaphore(%dma_start3A_7 : memref<!tpu.dma_semaphore, #tpu.memory_space<semaphore_mem>>)
    %dma_start3A_8 = arith.constant 3 : i32
    %dma_start3A_9 = tpu.memref_slice %arg26[%dma_start3A_8] : memref<11x!tpu.dma_semaphore, #tpu.memory_space<semaphore_mem>> -> memref<1x!tpu.dma_semaphore, #tpu.memory_space<semaphore_mem>>
    %dma_start3A_10 = tpu.memref_squeeze %dma_start3A_9 : memref<1x!tpu.dma_semaphore, #tpu.memory_space<semaphore_mem>> -> memref<!tpu.dma_semaphore, #tpu.memory_space<semaphore_mem>>
    tpu.enqueue_dma source(%arg3 : memref<1x256xf32, #tpu.memory_space<any>>) target(%arg18 : memref<1x256xf32, #tpu.memory_space<vmem>>) target_semaphore(%dma_start3A_10 : memref<!tpu.dma_semaphore, #tpu.memory_space<semaphore_mem>>)
    %dma_start3A_11 = arith.constant 4 : i32
    %dma_start3A_12 = tpu.memref_slice %arg26[%dma_start3A_11] : memref<11x!tpu.dma_semaphore, #tpu.memory_space<semaphore_mem>> -> memref<1x!tpu.dma_semaphore, #tpu.memory_space<semaphore_mem>>
    %dma_start3A_13 = tpu.memref_squeeze %dma_start3A_12 : memref<1x!tpu.dma_semaphore, #tpu.memory_space<semaphore_mem>> -> memref<!tpu.dma_semaphore, #tpu.memory_space<semaphore_mem>>
    tpu.enqueue_dma source(%arg4 : memref<256x256xf32, #tpu.memory_space<any>>) target(%arg19 : memref<256x256xf32, #tpu.memory_space<vmem>>) target_semaphore(%dma_start3A_13 : memref<!tpu.dma_semaphore, #tpu.memory_space<semaphore_mem>>)
    %dma_start3A_14 = arith.constant 5 : i32
    %dma_start3A_15 = tpu.memref_slice %arg26[%dma_start3A_14] : memref<11x!tpu.dma_semaphore, #tpu.memory_space<semaphore_mem>> -> memref<1x!tpu.dma_semaphore, #tpu.memory_space<semaphore_mem>>
    %dma_start3A_16 = tpu.memref_squeeze %dma_start3A_15 : memref<1x!tpu.dma_semaphore, #tpu.memory_space<semaphore_mem>> -> memref<!tpu.dma_semaphore, #tpu.memory_space<semaphore_mem>>
    tpu.enqueue_dma source(%arg5 : memref<1x256xf32, #tpu.memory_space<any>>) target(%arg20 : memref<1x256xf32, #tpu.memory_space<vmem>>) target_semaphore(%dma_start3A_16 : memref<!tpu.dma_semaphore, #tpu.memory_space<semaphore_mem>>)
    %dma_start3A_17 = arith.constant 6 : i32
    %dma_start3A_18 = tpu.memref_slice %arg26[%dma_start3A_17] : memref<11x!tpu.dma_semaphore, #tpu.memory_space<semaphore_mem>> -> memref<1x!tpu.dma_semaphore, #tpu.memory_space<semaphore_mem>>
    %dma_start3A_19 = tpu.memref_squeeze %dma_start3A_18 : memref<1x!tpu.dma_semaphore, #tpu.memory_space<semaphore_mem>> -> memref<!tpu.dma_semaphore, #tpu.memory_space<semaphore_mem>>
    tpu.enqueue_dma source(%arg6 : memref<10x256xf32, #tpu.memory_space<any>>) target(%arg21 : memref<10x256xf32, #tpu.memory_space<vmem>>) target_semaphore(%dma_start3A_19 : memref<!tpu.dma_semaphore, #tpu.memory_space<semaphore_mem>>)
    %dma_start3A_20 = arith.constant 7 : i32
    %dma_start3A_21 = tpu.memref_slice %arg26[%dma_start3A_20] : memref<11x!tpu.dma_semaphore, #tpu.memory_space<semaphore_mem>> -> memref<1x!tpu.dma_semaphore, #tpu.memory_space<semaphore_mem>>
    %dma_start3A_22 = tpu.memref_squeeze %dma_start3A_21 : memref<1x!tpu.dma_semaphore, #tpu.memory_space<semaphore_mem>> -> memref<!tpu.dma_semaphore, #tpu.memory_space<semaphore_mem>>
    tpu.enqueue_dma source(%arg7 : memref<1x10xf32, #tpu.memory_space<any>>) target(%arg22 : memref<1x10xf32, #tpu.memory_space<vmem>>) target_semaphore(%dma_start3A_22 : memref<!tpu.dma_semaphore, #tpu.memory_space<semaphore_mem>>)
    %dma_start3A_23 = arith.constant 8 : i32
    %dma_start3A_24 = tpu.memref_slice %arg26[%dma_start3A_23] : memref<11x!tpu.dma_semaphore, #tpu.memory_space<semaphore_mem>> -> memref<1x!tpu.dma_semaphore, #tpu.memory_space<semaphore_mem>>
    %dma_start3A_25 = tpu.memref_squeeze %dma_start3A_24 : memref<1x!tpu.dma_semaphore, #tpu.memory_space<semaphore_mem>> -> memref<!tpu.dma_semaphore, #tpu.memory_space<semaphore_mem>>
    tpu.enqueue_dma source(%arg8 : memref<1x640xf32, #tpu.memory_space<any>>) target(%arg23 : memref<1x640xf32, #tpu.memory_space<vmem>>) target_semaphore(%dma_start3A_25 : memref<!tpu.dma_semaphore, #tpu.memory_space<semaphore_mem>>)
    %dma_start3A_26 = arith.constant 9 : i32
    %dma_start3A_27 = tpu.memref_slice %arg26[%dma_start3A_26] : memref<11x!tpu.dma_semaphore, #tpu.memory_space<semaphore_mem>> -> memref<1x!tpu.dma_semaphore, #tpu.memory_space<semaphore_mem>>
    %dma_start3A_28 = tpu.memref_squeeze %dma_start3A_27 : memref<1x!tpu.dma_semaphore, #tpu.memory_space<semaphore_mem>> -> memref<!tpu.dma_semaphore, #tpu.memory_space<semaphore_mem>>
    tpu.enqueue_dma source(%arg9 : memref<2x640xf32, #tpu.memory_space<any>>) target(%arg24 : memref<2x640xf32, #tpu.memory_space<vmem>>) target_semaphore(%dma_start3A_28 : memref<!tpu.dma_semaphore, #tpu.memory_space<semaphore_mem>>)
    %dma_start3A_29 = arith.constant 10 : i32
    %dma_start3A_30 = tpu.memref_slice %arg26[%dma_start3A_29] : memref<11x!tpu.dma_semaphore, #tpu.memory_space<semaphore_mem>> -> memref<1x!tpu.dma_semaphore, #tpu.memory_space<semaphore_mem>>
    %dma_start3A_31 = tpu.memref_squeeze %dma_start3A_30 : memref<1x!tpu.dma_semaphore, #tpu.memory_space<semaphore_mem>> -> memref<!tpu.dma_semaphore, #tpu.memory_space<semaphore_mem>>
    tpu.enqueue_dma source(%arg10 : memref<1x2xf32, #tpu.memory_space<any>>) target(%arg25 : memref<1x2xf32, #tpu.memory_space<vmem>>) target_semaphore(%dma_start3A_31 : memref<!tpu.dma_semaphore, #tpu.memory_space<semaphore_mem>>)
    %broadcast_in_dim3A = arith.constant 1.000000e+00 : f32
    %broadcast_in_dim3A_32 = vector.broadcast %broadcast_in_dim3A : f32 to vector<1x128xf32>
    %broadcast_in_dim3A_33 = arith.constant 1.000000e+00 : f32
    %broadcast_in_dim3A_34 = vector.broadcast %broadcast_in_dim3A_33 : f32 to vector<10x128xf32>
    %dma_wait3A = arith.constant 0 : i32
    %dma_wait3A_35 = tpu.memref_slice %arg26[%dma_wait3A] : memref<11x!tpu.dma_semaphore, #tpu.memory_space<semaphore_mem>> -> memref<1x!tpu.dma_semaphore, #tpu.memory_space<semaphore_mem>>
    %dma_wait3A_36 = tpu.memref_squeeze %dma_wait3A_35 : memref<1x!tpu.dma_semaphore, #tpu.memory_space<semaphore_mem>> -> memref<!tpu.dma_semaphore, #tpu.memory_space<semaphore_mem>>
    tpu.wait_dma2 semaphore(%dma_wait3A_36 : memref<!tpu.dma_semaphore, #tpu.memory_space<semaphore_mem>>) src(%arg0 : memref<16x128xf32, #tpu.memory_space<any>>) dst(%arg15 : memref<16x128xf32, #tpu.memory_space<vmem>>)
    %dma_wait3A_37 = arith.constant 1 : i32
    %dma_wait3A_38 = tpu.memref_slice %arg26[%dma_wait3A_37] : memref<11x!tpu.dma_semaphore, #tpu.memory_space<semaphore_mem>> -> memref<1x!tpu.dma_semaphore, #tpu.memory_space<semaphore_mem>>
    %dma_wait3A_39 = tpu.memref_squeeze %dma_wait3A_38 : memref<1x!tpu.dma_semaphore, #tpu.memory_space<semaphore_mem>> -> memref<!tpu.dma_semaphore, #tpu.memory_space<semaphore_mem>>
    tpu.wait_dma2 semaphore(%dma_wait3A_39 : memref<!tpu.dma_semaphore, #tpu.memory_space<semaphore_mem>>) src(%arg1 : memref<32x256xf32, #tpu.memory_space<any>>) dst(%arg16 : memref<32x256xf32, #tpu.memory_space<vmem>>)
    %dma_wait3A_40 = arith.constant 3 : i32
    %dma_wait3A_41 = tpu.memref_slice %arg26[%dma_wait3A_40] : memref<11x!tpu.dma_semaphore, #tpu.memory_space<semaphore_mem>> -> memref<1x!tpu.dma_semaphore, #tpu.memory_space<semaphore_mem>>
    %dma_wait3A_42 = tpu.memref_squeeze %dma_wait3A_41 : memref<1x!tpu.dma_semaphore, #tpu.memory_space<semaphore_mem>> -> memref<!tpu.dma_semaphore, #tpu.memory_space<semaphore_mem>>
    tpu.wait_dma2 semaphore(%dma_wait3A_42 : memref<!tpu.dma_semaphore, #tpu.memory_space<semaphore_mem>>) src(%arg3 : memref<1x256xf32, #tpu.memory_space<any>>) dst(%arg18 : memref<1x256xf32, #tpu.memory_space<vmem>>)
    %dma_wait3A_43 = arith.constant 4 : i32
    %dma_wait3A_44 = tpu.memref_slice %arg26[%dma_wait3A_43] : memref<11x!tpu.dma_semaphore, #tpu.memory_space<semaphore_mem>> -> memref<1x!tpu.dma_semaphore, #tpu.memory_space<semaphore_mem>>
    %dma_wait3A_45 = tpu.memref_squeeze %dma_wait3A_44 : memref<1x!tpu.dma_semaphore, #tpu.memory_space<semaphore_mem>> -> memref<!tpu.dma_semaphore, #tpu.memory_space<semaphore_mem>>
    tpu.wait_dma2 semaphore(%dma_wait3A_45 : memref<!tpu.dma_semaphore, #tpu.memory_space<semaphore_mem>>) src(%arg4 : memref<256x256xf32, #tpu.memory_space<any>>) dst(%arg19 : memref<256x256xf32, #tpu.memory_space<vmem>>)
    %dma_wait3A_46 = arith.constant 5 : i32
    %dma_wait3A_47 = tpu.memref_slice %arg26[%dma_wait3A_46] : memref<11x!tpu.dma_semaphore, #tpu.memory_space<semaphore_mem>> -> memref<1x!tpu.dma_semaphore, #tpu.memory_space<semaphore_mem>>
    %dma_wait3A_48 = tpu.memref_squeeze %dma_wait3A_47 : memref<1x!tpu.dma_semaphore, #tpu.memory_space<semaphore_mem>> -> memref<!tpu.dma_semaphore, #tpu.memory_space<semaphore_mem>>
    tpu.wait_dma2 semaphore(%dma_wait3A_48 : memref<!tpu.dma_semaphore, #tpu.memory_space<semaphore_mem>>) src(%arg5 : memref<1x256xf32, #tpu.memory_space<any>>) dst(%arg20 : memref<1x256xf32, #tpu.memory_space<vmem>>)
    %dma_wait3A_49 = arith.constant 6 : i32
    %dma_wait3A_50 = tpu.memref_slice %arg26[%dma_wait3A_49] : memref<11x!tpu.dma_semaphore, #tpu.memory_space<semaphore_mem>> -> memref<1x!tpu.dma_semaphore, #tpu.memory_space<semaphore_mem>>
    %dma_wait3A_51 = tpu.memref_squeeze %dma_wait3A_50 : memref<1x!tpu.dma_semaphore, #tpu.memory_space<semaphore_mem>> -> memref<!tpu.dma_semaphore, #tpu.memory_space<semaphore_mem>>
    tpu.wait_dma2 semaphore(%dma_wait3A_51 : memref<!tpu.dma_semaphore, #tpu.memory_space<semaphore_mem>>) src(%arg6 : memref<10x256xf32, #tpu.memory_space<any>>) dst(%arg21 : memref<10x256xf32, #tpu.memory_space<vmem>>)
    %dma_wait3A_52 = arith.constant 7 : i32
    %dma_wait3A_53 = tpu.memref_slice %arg26[%dma_wait3A_52] : memref<11x!tpu.dma_semaphore, #tpu.memory_space<semaphore_mem>> -> memref<1x!tpu.dma_semaphore, #tpu.memory_space<semaphore_mem>>
    %dma_wait3A_54 = tpu.memref_squeeze %dma_wait3A_53 : memref<1x!tpu.dma_semaphore, #tpu.memory_space<semaphore_mem>> -> memref<!tpu.dma_semaphore, #tpu.memory_space<semaphore_mem>>
    tpu.wait_dma2 semaphore(%dma_wait3A_54 : memref<!tpu.dma_semaphore, #tpu.memory_space<semaphore_mem>>) src(%arg7 : memref<1x10xf32, #tpu.memory_space<any>>) dst(%arg22 : memref<1x10xf32, #tpu.memory_space<vmem>>)
    %get3A = arith.constant 0 : index
    %get3A_55 = arith.constant 0 : index
    %get3A_56 = vector.load %arg15[%get3A, %get3A_55] : memref<16x128xf32, #tpu.memory_space<vmem>>, vector<16x128xf32>
    %slice3A = vector.extract_strided_slice %get3A_56 {offsets = [0, 0], sizes = [10, 128], strides = [1, 1]} : vector<16x128xf32> to vector<10x128xf32>
    %get3A_57 = arith.constant 0 : index
    %get3A_58 = arith.constant 0 : index
    %get3A_59 = vector.load %arg16[%get3A_57, %get3A_58] : memref<32x256xf32, #tpu.memory_space<vmem>>, vector<32x256xf32>
    %slice3A_60 = vector.extract_strided_slice %get3A_59 {offsets = [0, 0], sizes = [10, 256], strides = [1, 1]} : vector<32x256xf32> to vector<10x256xf32>
    %dot_general3A = arith.constant dense<0.000000e+00> : vector<256x128xf32>
    %dot_general3A_61 = tpu.matmul %slice3A_60, %slice3A, %dot_general3A {dimension_numbers = #tpu.dot_dimension_numbers<[0], [0], [1], [1], [0, 1, 1, 1], [], []>, transpose_lhs_hint = false} : vector<10x256xf32>, vector<10x128xf32>, vector<256x128xf32> -> vector<256x128xf32>
    %slice3A_62 = vector.extract_strided_slice %get3A_59 {offsets = [16, 0], sizes = [10, 256], strides = [1, 1]} : vector<32x256xf32> to vector<10x256xf32>
    %dot_general3A_63 = arith.constant dense<0.000000e+00> : vector<256x128xf32>
    %dot_general3A_64 = tpu.matmul %slice3A_62, %broadcast_in_dim3A_34, %dot_general3A_63 {dimension_numbers = #tpu.dot_dimension_numbers<[0], [0], [1], [1], [0, 1, 1, 1], [], []>, transpose_lhs_hint = false} : vector<10x256xf32>, vector<10x128xf32>, vector<256x128xf32> -> vector<256x128xf32>
    %add3A = arith.addf %dot_general3A_61, %dot_general3A_64 : vector<256x128xf32>
    %get3A_65 = arith.constant 0 : index
    %get3A_66 = arith.constant 0 : index
    %get3A_67 = vector.load %arg18[%get3A_65, %get3A_66] : memref<1x256xf32, #tpu.memory_space<vmem>>, vector<1x256xf32>
    %dot_general3A_68 = arith.constant dense<0.000000e+00> : vector<256x128xf32>
    %dot_general3A_69 = tpu.matmul %get3A_67, %broadcast_in_dim3A_32, %dot_general3A_68 {dimension_numbers = #tpu.dot_dimension_numbers<[0], [0], [1], [1], [0, 1, 1, 1], [], []>, transpose_lhs_hint = false} : vector<1x256xf32>, vector<1x128xf32>, vector<256x128xf32> -> vector<256x128xf32>
    %add3A_70 = arith.addf %add3A, %dot_general3A_69 : vector<256x128xf32>
    %max3A = arith.constant 0.000000e+00 : f32
    %max3A_71 = vector.broadcast %max3A : f32 to vector<256x128xf32>
    %max3A_72 = arith.maximumf %add3A_70, %max3A_71 : vector<256x128xf32>
    %get3A_73 = arith.constant 0 : index
    %get3A_74 = arith.constant 0 : index
    %get3A_75 = vector.load %arg19[%get3A_73, %get3A_74] : memref<256x256xf32, #tpu.memory_space<vmem>>, vector<256x256xf32>
    %dot_general3A_76 = arith.constant dense<0.000000e+00> : vector<256x128xf32>
    %dot_general3A_77 = tpu.matmul %get3A_75, %max3A_72, %dot_general3A_76 {dimension_numbers = #tpu.dot_dimension_numbers<[0], [0], [1], [1], [0, 1, 1, 1], [], []>, transpose_lhs_hint = false} : vector<256x256xf32>, vector<256x128xf32>, vector<256x128xf32> -> vector<256x128xf32>
    %get3A_78 = arith.constant 0 : index
    %get3A_79 = arith.constant 0 : index
    %get3A_80 = vector.load %arg20[%get3A_78, %get3A_79] : memref<1x256xf32, #tpu.memory_space<vmem>>, vector<1x256xf32>
    %dot_general3A_81 = arith.constant dense<0.000000e+00> : vector<256x128xf32>
    %dot_general3A_82 = tpu.matmul %get3A_80, %broadcast_in_dim3A_32, %dot_general3A_81 {dimension_numbers = #tpu.dot_dimension_numbers<[0], [0], [1], [1], [0, 1, 1, 1], [], []>, transpose_lhs_hint = false} : vector<1x256xf32>, vector<1x128xf32>, vector<256x128xf32> -> vector<256x128xf32>
    %add3A_83 = arith.addf %dot_general3A_77, %dot_general3A_82 : vector<256x128xf32>
    %max3A_84 = arith.constant 0.000000e+00 : f32
    %max3A_85 = vector.broadcast %max3A_84 : f32 to vector<256x128xf32>
    %max3A_86 = arith.maximumf %add3A_83, %max3A_85 : vector<256x128xf32>
    %get3A_87 = arith.constant 0 : index
    %get3A_88 = arith.constant 0 : index
    %get3A_89 = vector.load %arg21[%get3A_87, %get3A_88] : memref<10x256xf32, #tpu.memory_space<vmem>>, vector<10x256xf32>
    %dot_general3A_90 = arith.constant dense<0.000000e+00> : vector<10x128xf32>
    %dot_general3A_91 = tpu.matmul %get3A_89, %max3A_86, %dot_general3A_90 {dimension_numbers = #tpu.dot_dimension_numbers<[1], [0], [0], [1], [0, 0, 1, 1], [], []>, transpose_lhs_hint = false} : vector<10x256xf32>, vector<256x128xf32>, vector<10x128xf32> -> vector<10x128xf32>
    %get3A_92 = arith.constant 0 : index
    %get3A_93 = arith.constant 0 : index
    %get3A_94 = vector.load %arg22[%get3A_92, %get3A_93] : memref<1x10xf32, #tpu.memory_space<vmem>>, vector<1x10xf32>
    %dot_general3A_95 = arith.constant dense<0.000000e+00> : vector<10x128xf32>
    %dot_general3A_96 = tpu.matmul %get3A_94, %broadcast_in_dim3A_32, %dot_general3A_95 {dimension_numbers = #tpu.dot_dimension_numbers<[0], [0], [1], [1], [0, 1, 1, 1], [], []>, transpose_lhs_hint = false} : vector<1x10xf32>, vector<1x128xf32>, vector<10x128xf32> -> vector<10x128xf32>
    %add3A_97 = arith.addf %dot_general3A_91, %dot_general3A_96 : vector<10x128xf32>
    %swap3A = arith.constant 0 : index
    %swap3A_98 = arith.constant 0 : index
    %swap3A_99 = vector.load %arg11[%swap3A, %swap3A_98] : memref<10x128xf32, #tpu.memory_space<vmem>>, vector<10x128xf32>
    tpu.vector_store %arg11[%swap3A, %swap3A_98], %add3A_97 {strides = array<i32>} : memref<10x128xf32, #tpu.memory_space<vmem>>, vector<10x128xf32>,
    %reduce_max3A = arith.constant dense<0xFF800000> : vector<128xf32>
    %reduce_max3A_100 = vector.multi_reduction <maximumf>, %add3A_97, %reduce_max3A [0] : vector<10x128xf32> to vector<128xf32>
    %broadcast_in_dim3A_101 = vector.shape_cast %reduce_max3A_100 : vector<128xf32> to vector<1x128xf32>
    %sub3A = vector.broadcast %broadcast_in_dim3A_101 : vector<1x128xf32> to vector<10x128xf32>
    %sub3A_102 = arith.subf %add3A_97, %sub3A : vector<10x128xf32>
    %exp3A = math.exp %sub3A_102 : vector<10x128xf32>
    %reduce_sum3A = arith.constant dense<0.000000e+00> : vector<128xf32>
    %reduce_sum3A_103 = vector.multi_reduction <add>, %exp3A, %reduce_sum3A [0] : vector<10x128xf32> to vector<128xf32>
    %broadcast_in_dim3A_104 = vector.shape_cast %reduce_sum3A_103 : vector<128xf32> to vector<1x128xf32>
    %log3A = math.log %broadcast_in_dim3A_104 : vector<1x128xf32>
    %add3A_105 = arith.addf %broadcast_in_dim3A_101, %log3A : vector<1x128xf32>
    %sub3A_106 = vector.broadcast %add3A_105 : vector<1x128xf32> to vector<10x128xf32>
    %sub3A_107 = arith.subf %add3A_97, %sub3A_106 : vector<10x128xf32>
    %swap3A_108 = arith.constant 0 : index
    %swap3A_109 = arith.constant 0 : index
    %swap3A_110 = vector.load %arg12[%swap3A_108, %swap3A_109] : memref<10x128xf32, #tpu.memory_space<vmem>>, vector<10x128xf32>
    tpu.vector_store %arg12[%swap3A_108, %swap3A_109], %sub3A_107 {strides = array<i32>} : memref<10x128xf32, #tpu.memory_space<vmem>>, vector<10x128xf32>,
    %dma_wait3A_111 = arith.constant 2 : i32
    %dma_wait3A_112 = tpu.memref_slice %arg26[%dma_wait3A_111] : memref<11x!tpu.dma_semaphore, #tpu.memory_space<semaphore_mem>> -> memref<1x!tpu.dma_semaphore, #tpu.memory_space<semaphore_mem>>
    %dma_wait3A_113 = tpu.memref_squeeze %dma_wait3A_112 : memref<1x!tpu.dma_semaphore, #tpu.memory_space<semaphore_mem>> -> memref<!tpu.dma_semaphore, #tpu.memory_space<semaphore_mem>>
    tpu.wait_dma2 semaphore(%dma_wait3A_113 : memref<!tpu.dma_semaphore, #tpu.memory_space<semaphore_mem>>) src(%arg2 : memref<32x640xf32, #tpu.memory_space<any>>) dst(%arg17 : memref<32x640xf32, #tpu.memory_space<vmem>>)
    %dma_wait3A_114 = arith.constant 8 : i32
    %dma_wait3A_115 = tpu.memref_slice %arg26[%dma_wait3A_114] : memref<11x!tpu.dma_semaphore, #tpu.memory_space<semaphore_mem>> -> memref<1x!tpu.dma_semaphore, #tpu.memory_space<semaphore_mem>>
    %dma_wait3A_116 = tpu.memref_squeeze %dma_wait3A_115 : memref<1x!tpu.dma_semaphore, #tpu.memory_space<semaphore_mem>> -> memref<!tpu.dma_semaphore, #tpu.memory_space<semaphore_mem>>
    tpu.wait_dma2 semaphore(%dma_wait3A_116 : memref<!tpu.dma_semaphore, #tpu.memory_space<semaphore_mem>>) src(%arg8 : memref<1x640xf32, #tpu.memory_space<any>>) dst(%arg23 : memref<1x640xf32, #tpu.memory_space<vmem>>)
    %dma_wait3A_117 = arith.constant 9 : i32
    %dma_wait3A_118 = tpu.memref_slice %arg26[%dma_wait3A_117] : memref<11x!tpu.dma_semaphore, #tpu.memory_space<semaphore_mem>> -> memref<1x!tpu.dma_semaphore, #tpu.memory_space<semaphore_mem>>
    %dma_wait3A_119 = tpu.memref_squeeze %dma_wait3A_118 : memref<1x!tpu.dma_semaphore, #tpu.memory_space<semaphore_mem>> -> memref<!tpu.dma_semaphore, #tpu.memory_space<semaphore_mem>>
    tpu.wait_dma2 semaphore(%dma_wait3A_119 : memref<!tpu.dma_semaphore, #tpu.memory_space<semaphore_mem>>) src(%arg9 : memref<2x640xf32, #tpu.memory_space<any>>) dst(%arg24 : memref<2x640xf32, #tpu.memory_space<vmem>>)
    %dma_wait3A_120 = arith.constant 10 : i32
    %dma_wait3A_121 = tpu.memref_slice %arg26[%dma_wait3A_120] : memref<11x!tpu.dma_semaphore, #tpu.memory_space<semaphore_mem>> -> memref<1x!tpu.dma_semaphore, #tpu.memory_space<semaphore_mem>>
    %dma_wait3A_122 = tpu.memref_squeeze %dma_wait3A_121 : memref<1x!tpu.dma_semaphore, #tpu.memory_space<semaphore_mem>> -> memref<!tpu.dma_semaphore, #tpu.memory_space<semaphore_mem>>
    tpu.wait_dma2 semaphore(%dma_wait3A_122 : memref<!tpu.dma_semaphore, #tpu.memory_space<semaphore_mem>>) src(%arg10 : memref<1x2xf32, #tpu.memory_space<any>>) dst(%arg25 : memref<1x2xf32, #tpu.memory_space<vmem>>)
    %get3A_123 = arith.constant 0 : index
    %get3A_124 = arith.constant 0 : index
    %get3A_125 = vector.load %arg17[%get3A_123, %get3A_124] : memref<32x640xf32, #tpu.memory_space<vmem>>, vector<32x640xf32>
    %slice3A_126 = vector.extract_strided_slice %get3A_125 {offsets = [0, 0], sizes = [10, 640], strides = [1, 1]} : vector<32x640xf32> to vector<10x640xf32>
    %dot_general3A_127 = arith.constant dense<0.000000e+00> : vector<640x128xf32>
    %dot_general3A_128 = tpu.matmul %slice3A_126, %slice3A, %dot_general3A_127 {dimension_numbers = #tpu.dot_dimension_numbers<[0], [0], [1], [1], [0, 1, 1, 1], [], []>, transpose_lhs_hint = false} : vector<10x640xf32>, vector<10x128xf32>, vector<640x128xf32> -> vector<640x128xf32>
    %slice3A_129 = vector.extract_strided_slice %get3A_125 {offsets = [16, 0], sizes = [10, 640], strides = [1, 1]} : vector<32x640xf32> to vector<10x640xf32>
    %dot_general3A_130 = arith.constant dense<0.000000e+00> : vector<640x128xf32>
    %dot_general3A_131 = tpu.matmul %slice3A_129, %broadcast_in_dim3A_34, %dot_general3A_130 {dimension_numbers = #tpu.dot_dimension_numbers<[0], [0], [1], [1], [0, 1, 1, 1], [], []>, transpose_lhs_hint = false} : vector<10x640xf32>, vector<10x128xf32>, vector<640x128xf32> -> vector<640x128xf32>
    %add3A_132 = arith.addf %dot_general3A_128, %dot_general3A_131 : vector<640x128xf32>
    %get3A_133 = arith.constant 0 : index
    %get3A_134 = arith.constant 0 : index
    %get3A_135 = vector.load %arg23[%get3A_133, %get3A_134] : memref<1x640xf32, #tpu.memory_space<vmem>>, vector<1x640xf32>
    %dot_general3A_136 = arith.constant dense<0.000000e+00> : vector<640x128xf32>
    %dot_general3A_137 = tpu.matmul %get3A_135, %broadcast_in_dim3A_32, %dot_general3A_136 {dimension_numbers = #tpu.dot_dimension_numbers<[0], [0], [1], [1], [0, 1, 1, 1], [], []>, transpose_lhs_hint = false} : vector<1x640xf32>, vector<1x128xf32>, vector<640x128xf32> -> vector<640x128xf32>
    %add3A_138 = arith.addf %add3A_132, %dot_general3A_137 : vector<640x128xf32>
    %max3A_139 = arith.constant 0.000000e+00 : f32
    %max3A_140 = vector.broadcast %max3A_139 : f32 to vector<640x128xf32>
    %max3A_141 = arith.maximumf %add3A_138, %max3A_140 : vector<640x128xf32>
    %get3A_142 = arith.constant 0 : index
    %get3A_143 = arith.constant 0 : index
    %get3A_144 = vector.load %arg24[%get3A_142, %get3A_143] : memref<2x640xf32, #tpu.memory_space<vmem>>, vector<2x640xf32>
    %dot_general3A_145 = arith.constant dense<0.000000e+00> : vector<2x128xf32>
    %dot_general3A_146 = tpu.matmul %get3A_144, %max3A_141, %dot_general3A_145 {dimension_numbers = #tpu.dot_dimension_numbers<[1], [0], [0], [1], [0, 0, 1, 1], [], []>, transpose_lhs_hint = false} : vector<2x640xf32>, vector<640x128xf32>, vector<2x128xf32> -> vector<2x128xf32>
    %get3A_147 = arith.constant 0 : index
    %get3A_148 = arith.constant 0 : index
    %get3A_149 = vector.load %arg25[%get3A_147, %get3A_148] : memref<1x2xf32, #tpu.memory_space<vmem>>, vector<1x2xf32>
    %dot_general3A_150 = arith.constant dense<0.000000e+00> : vector<2x128xf32>
    %dot_general3A_151 = tpu.matmul %get3A_149, %broadcast_in_dim3A_32, %dot_general3A_150 {dimension_numbers = #tpu.dot_dimension_numbers<[0], [0], [1], [1], [0, 1, 1, 1], [], []>, transpose_lhs_hint = false} : vector<1x2xf32>, vector<1x128xf32>, vector<2x128xf32> -> vector<2x128xf32>
    %add3A_152 = arith.addf %dot_general3A_146, %dot_general3A_151 : vector<2x128xf32>
    %slice3A_153 = vector.extract_strided_slice %add3A_152 {offsets = [0, 0], sizes = [1, 128], strides = [1, 1]} : vector<2x128xf32> to vector<1x128xf32>
    %slice3A_154 = vector.extract_strided_slice %add3A_152 {offsets = [1, 0], sizes = [1, 128], strides = [1, 1]} : vector<2x128xf32> to vector<1x128xf32>
    %ge3A = arith.cmpf oge, %slice3A_153, %slice3A_154 : vector<1x128xf32>
    %jit3A = arith.constant 0 : i32
    %jit3A_155 = arith.constant 1 : i32
    %broadcast_in_dim3A_156 = vector.broadcast %jit3A : i32 to vector<1x128xi32>
    %broadcast_in_dim3A_157 = vector.broadcast %jit3A_155 : i32 to vector<1x128xi32>
    %select_n3A = arith.select %ge3A, %broadcast_in_dim3A_156, %broadcast_in_dim3A_157 : vector<1x128xi1>, vector<1x128xi32>
    %swap3A_158 = arith.constant 0 : index
    %swap3A_159 = arith.constant 0 : index
    %swap3A_160 = vector.load %arg13[%swap3A_158, %swap3A_159] : memref<1x128xi32, #tpu.memory_space<vmem>>, vector<1x128xi32>
    tpu.vector_store %arg13[%swap3A_158, %swap3A_159], %select_n3A {strides = array<i32>} : memref<1x128xi32, #tpu.memory_space<vmem>>, vector<1x128xi32>,
    %max3A_161 = arith.maximumf %slice3A_153, %slice3A_154 : vector<1x128xf32>
    %sub3A_162 = arith.subf %slice3A_153, %max3A_161 : vector<1x128xf32>
    %exp3A_163 = math.exp %sub3A_162 : vector<1x128xf32>
    %sub3A_164 = arith.subf %slice3A_154, %max3A_161 : vector<1x128xf32>
    %exp3A_165 = math.exp %sub3A_164 : vector<1x128xf32>
    %add3A_166 = arith.addf %exp3A_163, %exp3A_165 : vector<1x128xf32>
    %log3A_167 = math.log %add3A_166 : vector<1x128xf32>
    %add3A_168 = arith.addf %max3A_161, %log3A_167 : vector<1x128xf32>
    %sub3A_169 = arith.subf %max3A_161, %add3A_168 : vector<1x128xf32>
    %swap3A_170 = arith.constant 0 : index
    %swap3A_171 = arith.constant 0 : index
    %swap3A_172 = vector.load %arg14[%swap3A_170, %swap3A_171] : memref<1x128xf32, #tpu.memory_space<vmem>>, vector<1x128xf32>
    tpu.vector_store %arg14[%swap3A_170, %swap3A_171], %sub3A_169 {strides = array<i32>} : memref<1x128xf32, #tpu.memory_space<vmem>>, vector<1x128xf32>,
    return
  }
}

</mosaic_0001>

<sc_bundles>
// kernel: kernel.5.cloned.1.call-start
scs
__scs_entry_jumppad:
0x0: {  	(pc) =	sbr.rel $0x88, $3  }
0x1: {  	(tag) =	ssettag $0x0;
	lr =	simm.s32 $0x1  }
0x2: {  	[smem:$0x3F90] =	sst lr;
	_ =	strace $0xD0000000  }
0x3: {  	_ = 	snop  }
0x4: {  	_ = 	snop  }
0x5: {  	_ = 	snop  }
0x6: {  	_ = 	snop  }
0x7: {  	_ = 	snop  }
__scs_overlays_trampoline_lowered:
0x8: {  	[smem:$0x3F9F] =	sst s0  }
0x9: {  	[smem:$0x3FA0] =	sst s1  }
0xa: {  	[smem:$0x3FA1] =	sst s2  }
0xb: {  	[smem:$0x3FA2] =	sst s3  }
0xc: {  	[smem:$0x3FA3] =	sst s4  }
0xd: {  	[smem:$0x3FA4] =	sst s5  }
0xe: {  	[smem:$0x3FA5] =	sst s6  }
0xf: {  	[smem:$0x3FA6] =	sst s7  }
0x10: {  	[smem:$0x3FA7] =	sst s8  }
0x11: {  	[smem:$0x3FA8] =	sst s9;
	s0 =	simm.s32 @!p0 $0x0  }
0x12: {  	s1 =	sld [smem:$0x3F8E];
	s0 =	simm.s32 @p0 $0x1  }
0x13: {  	[smem:$0x3FA9] =	sst s0;
	s0 =	simm.s32 @!p1 $0x0  }
0x14: {  	s2 =	sld [smem:$0x3F8D];
	s0 =	simm.s32 @p1 $0x1  }
0x15: {  	[smem:$0x3FAA] =	sst s0;
	s0 =	simm.s32 @!p2 $0x0  }
0x16: {  	s3 =	sld [smem:$0x3FDB];
	s0 =	simm.s32 @p2 $0x1  }
0x17: {  	s4 =	simm.s32 $0x1BF5;
	[smem:$0x3FAC] =	sst s0  }
0x18: {  	s0 =	sld [smem:$0x3F8F];
	_ =	swait.ge [sflag:s4], $0x0  }
0x19: {  	s7 =	sld [smem:$0x3F90]  }
0x1a: {  	s8 =	sadd.s32 $0xFFFFE003, lr  }
0x1b: {  	s9 =	sadd.s32 $0xFFFFFEF7, lr;
	s5 =	simm.s32 $0xFFFFFFFF;
	p2 =	slt.u32 s8, $0xFFFFF086  }
0x1c: {  	p1 =	slt.u32 s9, $0xF7A;
	s5 =	simm.s32 @!p2 $0x0  }
0x1d: {  	s5 =	simm.s32 @p1 $0x1;
	p0 =	seq.s32 s7, s2  }
0x1e: {  	s7 =	smul.u32 @!p0 $0xF7A, s2;
	p2 =	seq.s32 @!p0 s5, $0x0  }
0x1f: {  	s9 =	smul.u32 $0xF7A, s1;
	s8 =	simm.s32 @!p0 $0x1BF5;
	p2 =	por !p2, p0  }
0x20: {  	[sflag:s8] =	ssyncset.s32 @!p0 $0xFFFFF086;
	s6 =	sadd.s32 @!p0 s3, s7;
	s7 =	simm.s32 @!p0 $0x108  }
0x21: {  	s3 =	sadd.s32 s3, s9;
	s6 =	sadd.s32 @!p0 $0x88, s6;
	s7 =	simm.s32 @p2 $0x1082  }
0x22: {  	[simem:s7], [sflag:s8] =	dma.local @!p0 [hbm:s6], $0xF7A  }
0x23: {  	s9 =	sor.u32 $0xD0000000, s2;
	s6 =	simm.s32 $0x108;
	_ =	swait.ge @!p0 [sflag:s8], $0x0  }
0x24: {  	s3 =	sadd.s32 $0x88, s3;
	s6 =	simm.s32 @!p1 $0x1082;
	[sflag:s4] =	ssyncset.s32 $0xFFFFF086  }
0x25: {  	[simem:s6], [sflag:s4] =	dma.local [hbm:s3], $0xF7A  }
0x26: {  	[smem:$0x3F90] =	sst s1;
	(tag) =	ssettag s2;
	_ =	strace s9  }
0x27: {  	s1 =	sld [smem:$0x3FA0]  }
0x28: {  	s2 =	sld [smem:$0x3FA1]  }
0x29: {  	s4 =	sld [smem:$0x3FA3]  }
0x2a: {  	p0 =	seq.s32 s5, $0x0;
	s5 =	sld [smem:$0x3FA4]  }
0x2b: {  	s6 =	sld [smem:$0x3FA5]  }
0x2c: {  	s7 =	sld [smem:$0x3FA6]  }
0x2d: {  	s3 =	simm.s32 $0x108;
	s8 =	sld [smem:$0x3FA7]  }
0x2e: {  	s3 =	simm.s32 @!p0 $0x1082;
	s9 =	sld [smem:$0x3FA8]  }
0x2f: {  	lr =	sadd.s32 s0, s3;
	s0 =	sld [smem:$0x3F9F]  }
0x30: {  	s3 =	sld [smem:$0x3FA2]  }
0x31: {  	[smem:$0x3FAB] =	sst s10  }
0x32: {  	s10 =	sld [smem:$0x3FA9];
	_ =	sdelay $0x3  }
0x33: {  	p0 =	seq.s32 s10, $0x1;
	s10 =	sld [smem:$0x3FAB];
	_ =	sdelay $0x3  }
0x34: {  	[smem:$0x3FAB] =	sst s10  }
0x35: {  	s10 =	sld [smem:$0x3FAA];
	_ =	sdelay $0x3  }
0x36: {  	p1 =	seq.s32 s10, $0x1;
	s10 =	sld [smem:$0x3FAB];
	_ =	sdelay $0x3  }
0x37: {  	[smem:$0x3FAB] =	sst s10  }
0x38: {  	s10 =	sld [smem:$0x3FAC]  }
0x39: {  	_ = 	snop;
	(pc) =	sbr.ind lr, $3  }
0x3a: {  	_ = 	snop  }
0x3b: {  	_ = 	snop  }
0x3c: {  	p2 =	seq.s32 s10, $0x1;
	s10 =	sld [smem:$0x3FAB]  }
0x3d: {  	_ =	shalt  }
0x3e: {  	_ =	shalt  }
0x3f: {  	_ =	shalt  }
0x40: {  	_ =	shalt  }
0x41: {  	_ =	shalt  }
0x42: {  	_ =	shalt  }
0x43: {  	_ =	shalt  }
0x44: {  	_ =	shalt  }
0x45: {  	_ =	shalt  }
0x46: {  	_ =	shalt  }
0x47: {  	_ =	shalt  }
0x48: {  	_ =	shalt  }
0x49: {  	_ =	shalt  }
0x4a: {  	_ =	shalt  }
0x4b: {  	_ =	shalt  }
0x4c: {  	_ =	shalt  }
0x4d: {  	_ =	shalt  }
0x4e: {  	_ =	shalt  }
0x4f: {  	_ =	shalt  }
0x50: {  	_ =	shalt  }
0x51: {  	_ =	shalt  }
0x52: {  	_ =	shalt  }
0x53: {  	_ =	shalt  }
0x54: {  	_ =	shalt  }
0x55: {  	_ =	shalt  }
0x56: {  	_ =	shalt  }
0x57: {  	_ =	shalt  }
0x58: {  	_ =	shalt  }
0x59: {  	_ =	shalt  }
0x5a: {  	_ =	shalt  }
0x5b: {  	_ =	shalt  }
0x5c: {  	_ =	shalt  }
0x5d: {  	_ =	shalt  }
0x5e: {  	_ =	shalt  }
0x5f: {  	_ =	shalt  }
0x60: {  	_ =	shalt  }
0x61: {  	_ =	shalt  }
0x62: {  	_ =	shalt  }
0x63: {  	_ =	shalt  }
0x64: {  	_ =	shalt  }
0x65: {  	_ =	shalt  }
0x66: {  	_ =	shalt  }
0x67: {  	_ =	shalt  }
0x68: {  	_ =	shalt  }
0x69: {  	_ =	shalt  }
0x6a: {  	_ =	shalt  }
0x6b: {  	_ =	shalt  }
0x6c: {  	_ =	shalt  }
0x6d: {  	_ =	shalt  }
0x6e: {  	_ =	shalt  }
0x6f: {  	_ =	shalt  }
0x70: {  	_ =	shalt  }
0x71: {  	_ =	shalt  }
0x72: {  	_ =	shalt  }
0x73: {  	_ =	shalt  }
0x74: {  	_ =	shalt  }
0x75: {  	_ =	shalt  }
0x76: {  	_ =	shalt  }
0x77: {  	_ =	shalt  }
0x78: {  	_ =	shalt  }
0x79: {  	_ =	shalt  }
0x7a: {  	_ =	shalt  }
0x7b: {  	_ =	shalt  }
0x7c: {  	_ =	shalt  }
0x7d: {  	_ =	shalt  }
0x7e: {  	_ =	shalt  }
0x7f: {  	_ =	shalt  }
0x80: {  	_ =	shalt  }
0x81: {  	_ =	shalt  }
0x82: {  	_ =	shalt  }
0x83: {  	_ =	shalt  }
0x84: {  	_ =	shalt  }
0x85: {  	_ =	shalt  }
0x86: {  	_ =	shalt  }
0x87: {  	_ =	shalt  }
.Lfunc_end0:
.L_simem_size_0:
called_computation_lowered:
.L_overlay_start_0:
0x88: {  	s2 =	sld [smem:$0x3FD9]  }
0x89: {  	s3 =	sld [smem:$0x3FFE];
	_ =	sdelay $0x1  }
0x8a: {  	s1 =	srdreg.scid  }
0x8b: {  	s0 =	sand.u32 $0x1, s1  }
0x8c: {  	s14 =	sshll.u32 s0, $0xA;
	s2 =	sadd.s32 s3, s2  }
0x8d: {  	s2 =	sadd.s32 s2, s14  }
0x8e: {  	[smem:$0x3FB7] =	sst s2  }
0x8f: {  	_ = 	snop  }
0x90: {  	s2 =	sld [smem:$0x3FD0]  }
0x91: {  	s15 =	sld [smem:$0x3FC9]  }
0x92: {  	s4 =	sld [smem:$0x3FC2]  }
0x93: {  	s6 =	simm.s32 $0xA;
	s7 =	simm.s32 $0x10;
	s5 =	sld [smem:$0x3FBC]  }
0x94: {  	[smem:s7], [sflag:s6] =	dma.local [hbm:s2], $0x1  }
0x95: {  	_ =	swait.eq [sflag:s6], $0x1  }
0x96: {  	s16 =	sld [smem:$0x11];
	[sflag:s6] =	ssyncset.done $0x0  }
0x97: {  	s17 =	sld [smem:$0x14];
	[sflag:s6] =	ssyncadd.s32 $0xFFFFFFFF  }
0x98: {  	s18 =	sld [smem:$0x16];
	(tm) =	ssettm $0x1  }
0x99: {  	s8 =	sld [smem:$0x3FFB];
	_ =	sdelay $0x3  }
0x9a: {  	_ =	strace s8  }
0x9b: {  	s8 =	sld [smem:$0x3FFC];
	_ =	sdelay $0x3  }
0x9c: {  	_ =	strace s8  }
0x9d: {  	s8 =	sld [smem:$0x3FFD];
	_ =	sdelay $0x3  }
0x9e: {  	_ =	strace s8  }
0x9f: {  	_ =	strace $0x8FFFFFFF  }
0xa0: {  	s19 =	sld [smem:$0x3FDB];
	_ =	sdelay $0x1  }
0xa1: {  	s9 =	simm.s32 $_scs_section_size  }
0xa2: {  	s10 =	simm.s32 $_size__tile_overlayer_lowered;
	s11 =	simm.s32 $_tile_overlayer_lowered  }
0xa3: {  	s22 =	simm.s32 $0x1BFF;
	s21 =	sshll.u32 s11, $0x1;
	s8 =	sadd.s32 s9, s19  }
0xa4: {  	s12 =	simm.s32 $0x0;
	s20 =	sshll.u32 s10, $0x1;
	s10 =	sadd.s32 s21, s8  }
0xa5: {  	[timem:s12], [sflag:s22] =	dma.local [hbm:s10], s20  }
0xa6: {  	_ =	swait.ge [sflag:s22], s20  }
0xa7: {  	s9 =	ssub.s32 $0x0, s20;
	[sflag:s22] =	ssyncset.done $0x0  }
0xa8: {  	[sflag:s22] =	ssyncadd.s32 s9;
	_ =	sdelay $0x1  }
0xa9: {  	s23 =	simm.s32 $0x1B8B  }
0xaa: {  	_ =	swait.ge [sflag:s23], $0x1  }
0xab: {  	[sflag:s23] =	ssyncset.done $0x0  }
0xac: {  	s25 =	simm.s32 $0x1B8E;
	s24 =	sld [smem:$0x3FFE];
	[sflag:s23] =	ssyncadd.s32 $0xFFFFFFFF  }
0xad: {  	s26 =	simm.s32 $execute0_lowered;
	[smem:$0x3FD2] =	sst s25  }
0xae: {  	s10 =	sshll.u32 s26, $0x1;
	_ =	strace $0x80000046;
	[dreg:$0x1] =	wrdreg $0xFFFFFFFF  }
0xaf: {  	s28 =	simm.s32 $_size_execute0_lowered;
	s8 =	sadd.s32 s8, s10;
	[dreg:$0x0] =	wrdreg $0x0  }
0xb0: {  	s10 =	sshll.u32 s28, $0x1;
	[dreg:$0x2] =	wrdreg s8  }
0xb1: {  	[dreg:$0x3] =	wrdreg s10  }
0xb2: {  	[dreg:$0x4] =	wrdreg $0xC0  }
0xb3: {  	_ =	task [dreg:s12], $0x5FFFF  }
0xb4: {  	[dreg:$0x1] =	wrdreg $0xFFFFFFFF  }
0xb5: {  	[dreg:$0x0] =	wrdreg $0x60  }
0xb6: {  	[dreg:$0x2] =	wrdreg s17  }
0xb7: {  	[dreg:$0x3] =	wrdreg s18  }
0xb8: {  	[dreg:$0x4] =	wrdreg s4  }
0xb9: {  	[dreg:$0x5] =	wrdreg s5  }
0xba: {  	[dreg:$0x6] =	wrdreg s15  }
0xbb: {  	[dreg:$0x7] =	wrdreg s24  }
0xbc: {  	[dreg:$0x8] =	wrdreg s16  }
0xbd: {  	[dreg:$0x9] =	wrdreg $0x9  }
0xbe: {  	_ =	task.clear_ibuf [dreg:s12], $0xAFFFF;
	_ =	strace $0x90000046  }
0xbf: {  	s29 =	simm.s32 $0x9;
	_ =	strace $0x80000048  }
0xc0: {  	_ =	swait.ge [sflag:s29], $0x1  }
0xc1: {  	[sflag:s29] =	ssyncadd.s32 $0xFFFFFFFF  }
0xc2: {  	_ =	strace $0x90000048  }
0xc3: {  	_ =	sfence  }
0xc4: {  	s30 =	sld [smem:$0x0];
	_ =	sdelay $0x2  }
0xc5: {  	s31 =	sshll.u32 s1, $0xD;
	s1 =	sshrl.u32 s1, $0x2  }
0xc6: {  	s3 =	sand.u32 $0x4000, s31;
	s1 =	sadd.s32 s1, s30  }
0xc7: {  	s0 =	sor.u32 s3, s0;
	s1 =	sshll.u32 s1, $0x11  }
0xc8: {  	s0 =	sor.u32 s1, s0  }
0xc9: {  	s0 =	sadd.s32 $0x8F2B, s0  }
0xca: {  	[sflag:s0] =	ssyncadd.remote.s32 $0x1  }
0xcb: {  	_ =	sfence.sel $0xFFFF  }
0xcc: {  	[dreg:$0x0] =	wrdreg $0xFFFFFFFF;
	(pc) =	sbr.abs _section_cstart, $3  }
0xcd: {  	[dreg:$0x1] =	wrdreg $0xFFFFFFFF  }
0xce: {  	_ =	task.clear_ibuf [dreg:s12], $0x2FFFF;
	_ =	strace $0x9FFFFFFF  }
0xcf: {  	(tm) =	ssettm $0x7FFFFFFF  }
tec
execute0_lowered:
.L_overlay_start_1:
0x0: {  	(tag) =	ssettag $0x1  }
0x1: {  	s0 =	rddreg [dreg:$0x0]  }
0x2: {  	s2 =	rddreg [dreg:$0x1]  }
0x3: {  	s3 =	rddreg [dreg:$0x2]  }
0x4: {  	s4 =	rddreg [dreg:$0x3]  }
0x5: {  	s5 =	rddreg [dreg:$0x4]  }
0x6: {  	s9 =	rddreg [dreg:$0x5]  }
0x7: {  	s6 =	rddreg [dreg:$0x6]  }
0x8: {  	s1 =	rddreg [dreg:$0x7];
	s7 =	srdreg.scid  }
0x9: {  	_ =	strace $0x80000047;
	s15 =	simm.s32 $0x2;
	s16 =	simm.s32 $0x10  }
0xa: {  	s17 =	simm.s32 $0x7100;
	s10 =	sand.u32 $0x1, s7;
	s7 =	stileid.u32  }
0xb: {  	s18 =	simm.s32 $0x1;
	s8 =	sadd.s32 $0x3A00, s9;
	s13 =	sshll.u32 s7, $0x1  }
.Ltmp0:
0xc: {  	s11 =	ssub.s32 $0x2, s10;
	s14 =	sor.u32 s10, s13;
	(pc) =	sbr.rel .LBB2_1-.Ltmp0, $4  }
0xd: {  	s9 =	sadd.s32 $0x3000, s9;
	s12 =	sshrl.u32 s11, $0x1;
	p0 =	seq.s32 s14, $0x1  }
0xe: {  	s10 =	sadd.s32 $0x100, s4;
	s13 =	simm.s32 $0x0;
	p2 =	sne.s32 @!p0 s14, $0x0  }
0xf: {  	s12 =	ssub.s32 s11, s12;
	s11 =	sadd.s32 $0x200, s4;
	p2 =	por p2, p0  }
0x10: {  	p1 =	seq.s32 s14, $0x2;
	s12 =	smax.u32 s12, $0x1;
	s14 =	simm.s32 $0x80;
	vm0 =	vmmov @p0 $0xffff;
	vm1 =	vmmov @p0 $0xff;
	vm2 =	vmmov @!p2 $0xffff  }
.LBB2_3:
0x11: {  	[tilespmem:s14], [sflag:$0x2] =	stream.linear.gather [hbm4b:s2+s13], $0x80, $0x38;
	[tilespmem:$0x7900] =	vst v63  }
0x12: {  	_ =	swait.ge [sflag:s15], $0x80  }
0x13: {  	[sflag:s15] =	ssyncset.done $0x0  }
0x14: {  	[sflag:s15] =	ssyncadd.s32 $0xFFFFFF80  }
0x15: {  	[tilespmem:s17], [sflag:$0x1] =	stream.indirect.gather [hbm4b:s5+s16], $0x80, s14, s16, $0xb8;
	[tilespmem:$0x7900] =	vst v63  }
0x16: {  	_ =	swait.ge [sflag:s18], $0x800  }
0x17: {  	[sflag:s18] =	ssyncset.done $0x0  }
0x18: {  	[sflag:s18] =	ssyncadd.s32 $0xFFFFF800  }
0x19: {  	[hbm4b:s6+s13] =	stream.linear.scatter [tilespmem:s17], [sflag:$0x2], $0x800, $0x38;
	[tilespmem:$0x7900] =	vst v63  }
0x1a: {  	_ =	swait.ge [sflag:s15], $0x800  }
0x1b: {  	[sflag:s15] =	ssyncset.done $0x0  }
0x1c: {  	[sflag:s15] =	ssyncadd.s32 $0xFFFFF800  }
.LBB2_4:
0x1d: {  	s12 =	sadd.s32 $0xFFFFFFFF, s12  }
0x1e: {  	p3 =	sne.s32 s12, $0x0  }
.Ltmp1:
0x1f: {  	_ = 	snop;
	(pc) =	sbr.rel @!p3 .LBB2_5-.Ltmp1, $1  }
0x20: {  	_ =	sdelay $0x3  }
.LBB2_1:
.Ltmp2:
0x21: {  	(pc) =	sbr.rel @p1 .LBB2_3-.Ltmp2, $1  }
0x22: {  	_ =	sdelay $0x3  }
0x23: {  	s19 =	simm.s32 @p0 $0x0;
	s20 =	simm.s32 @p0 $0x2  }
0x24: {  	[tilespmem:s19], [sflag:$0x2] =	stream.linear.gather @p0 [hbm4b:s0+s19], $0x80, $0x38;
	[tilespmem:$0x7900] =	vst v63  }
0x25: {  	_ =	swait.ge @p0 [sflag:s20], $0x80  }
0x26: {  	[sflag:s20] =	ssyncset.done @p0 $0x0  }
0x27: {  	[sflag:s20] =	ssyncadd.s32 @p0 $0xFFFFFF80  }
0x28: {  	v0 =	vld @p0 [tilespmem:$0x0];
	_ =	sdelay $0x4  }
0x29: {  	v1 =	vshrl.u32 @p0 v0, $0x3  }
0x2a: {  	v1 =	vmul.u32 @p0 $0x28, v1  }
0x2b: {  	v2 =	vlaneseq.u32 @p0;
	v0 =	vand.u32 @p0 $0x7, v0  }
0x2c: {  	v3 =	vshrl.u32 @p0 v2, $0x3;
	v0 =	vor.u32 @p0 v0, v1;
	v1 =	vand.u32 @p0 $0x7, v2  }
0x2d: {  	v3 =	vmul.u32 @p0 $0x8, v3;
	v4 =	vperm.xlane @p0 v0, v1;
	_ =	sdelay $0x1  }
0x2e: {  	v4 =	vadd.s32 @p0 v3, v4;
	_ =	sdelay $0x2  }
0x2f: {  	v2 =	vor.u32 @p0 $0x8, v2  }
0x30: {  	s21 =	simm.s32 @p0 $0x2100;
	v0 =	vperm.xlane @p0 v0, v2  }
0x31: {  	[tilespmem:s21], [sflag:$0x1] =	stream.indirect_vreg.gather @p0 [hbm4b:s4+s19], $0x80, v4, vm0, $0xb8;
	[tilespmem:$0x7900] =	vst v63  }
0x32: {  	s22 =	simm.s32 @p0 $0x2900;
	v0 =	vadd.s32 @p0 v3, v0  }
0x33: {  	[tilespmem:s22], [sflag:$0x1] =	stream.indirect_vreg.gather @p0 [hbm4b:s10+s19], $0x80, v4, vm0, $0xb8;
	[tilespmem:$0x7900] =	vst v63  }
0x34: {  	s22 =	simm.s32 @p0 $0x3100  }
0x35: {  	[tilespmem:s22], [sflag:$0x1] =	stream.indirect_vreg.gather @p0 [hbm4b:s11+s19], $0x80, v4, vm1, $0xb8;
	[tilespmem:$0x7900] =	vst v63  }
0x36: {  	s22 =	simm.s32 @p0 $0x3500  }
0x37: {  	[tilespmem:s22], [sflag:$0x1] =	stream.indirect_vreg.gather @p0 [hbm4b:s4+s19], $0x80, v0, vm0, $0xb8;
	[tilespmem:$0x7900] =	vst v63  }
0x38: {  	s22 =	simm.s32 @p0 $0x3D00  }
0x39: {  	[tilespmem:s22], [sflag:$0x1] =	stream.indirect_vreg.gather @p0 [hbm4b:s10+s19], $0x80, v0, vm0, $0xb8;
	[tilespmem:$0x7900] =	vst v63  }
0x3a: {  	s22 =	simm.s32 @p0 $0x4500  }
0x3b: {  	[tilespmem:s22], [sflag:$0x1] =	stream.indirect_vreg.gather @p0 [hbm4b:s11+s19], $0x80, v0, vm1, $0xb8;
	[tilespmem:$0x7900] =	vst v63  }
0x3c: {  	v0 =	vld @p0 [tilespmem:$0x10];
	_ =	sdelay $0x4  }
0x3d: {  	v4 =	vshrl.u32 @p0 v0, $0x3  }
0x3e: {  	v4 =	vmul.u32 @p0 $0x28, v4  }
0x3f: {  	v0 =	vand.u32 @p0 $0x7, v0  }
0x40: {  	v0 =	vor.u32 @p0 v0, v4  }
0x41: {  	v1 =	vperm.xlane @p0 v0, v1;
	_ =	sdelay $0x1  }
0x42: {  	v1 =	vadd.s32 @p0 v3, v1;
	_ =	sdelay $0x3  }
0x43: {  	s22 =	simm.s32 @p0 $0x4900;
	v0 =	vperm.xlane @p0 v0, v2  }
0x44: {  	[tilespmem:s22], [sflag:$0x1] =	stream.indirect_vreg.gather @p0 [hbm4b:s4+s19], $0x80, v1, vm0, $0xb8;
	[tilespmem:$0x7900] =	vst v63  }
0x45: {  	v0 =	vadd.s32 @p0 v3, v0;
	s22 =	simm.s32 @p0 $0x5100  }
0x46: {  	[tilespmem:s22], [sflag:$0x1] =	stream.indirect_vreg.gather @p0 [hbm4b:s10+s19], $0x80, v1, vm0, $0xb8;
	[tilespmem:$0x7900] =	vst v63  }
0x47: {  	s22 =	simm.s32 @p0 $0x5900  }
0x48: {  	[tilespmem:s22], [sflag:$0x1] =	stream.indirect_vreg.gather @p0 [hbm4b:s11+s19], $0x80, v1, vm1, $0xb8;
	[tilespmem:$0x7900] =	vst v63  }
0x49: {  	s22 =	simm.s32 @p0 $0x5D00  }
0x4a: {  	[tilespmem:s22], [sflag:$0x1] =	stream.indirect_vreg.gather @p0 [hbm4b:s4+s19], $0x80, v0, vm0, $0xb8;
	[tilespmem:$0x7900] =	vst v63  }
0x4b: {  	s22 =	simm.s32 @p0 $0x6500  }
0x4c: {  	[tilespmem:s22], [sflag:$0x1] =	stream.indirect_vreg.gather @p0 [hbm4b:s10+s19], $0x80, v0, vm0, $0xb8;
	[tilespmem:$0x7900] =	vst v63  }
0x4d: {  	s22 =	simm.s32 @p0 $0x6D00  }
0x4e: {  	[tilespmem:s22], [sflag:$0x1] =	stream.indirect_vreg.gather @p0 [hbm4b:s11+s19], $0x80, v0, vm1, $0xb8;
	[tilespmem:$0x7900] =	vst v63  }
0x4f: {  	s22 =	simm.s32 @p0 $0x1  }
0x50: {  	_ =	swait.ge @p0 [sflag:s22], $0x5000  }
0x51: {  	[sflag:s22] =	ssyncset.done @p0 $0x0  }
0x52: {  	[sflag:s22] =	ssyncadd.s32 @p0 $0xFFFFB000  }
0x53: {  	[hbm4b:s9+s19] =	stream.linear.scatter @p0 [tilespmem:s21], [sflag:$0x2], $0x5000, $0x38;
	[tilespmem:$0x7900] =	vst v63  }
0x54: {  	_ =	swait.ge @p0 [sflag:s20], $0x5000  }
0x55: {  	[sflag:s20] =	ssyncset.done @p0 $0x0  }
0x56: {  	s19 =	simm.s32 @!p2 $0x0;
	[sflag:s20] =	ssyncadd.s32 @p0 $0xFFFFB000;
	s20 =	simm.s32 @!p2 $0x2  }
0x57: {  	[tilespmem:s19], [sflag:$0x2] =	stream.linear.gather @!p2 [hbm4b:s0+s19], $0x80, $0x38;
	[tilespmem:$0x7900] =	vst v63  }
0x58: {  	_ =	swait.ge @!p2 [sflag:s20], $0x80  }
0x59: {  	[sflag:s20] =	ssyncset.done @!p2 $0x0  }
0x5a: {  	[sflag:s20] =	ssyncadd.s32 @!p2 $0xFFFFFF80  }
0x5b: {  	v0 =	vld @!p2 [tilespmem:$0x0];
	_ =	sdelay $0x4  }
0x5c: {  	v1 =	vshll.u32 @!p2 v0, $0x1  }
0x5d: {  	v2 =	vlaneseq.u32 @!p2;
	v0 =	vand.u32 @!p2 $0x7, v0;
	v1 =	vand.u32 @!p2 $0xFFFFFFF0, v1  }
0x5e: {  	v3 =	vshrl.u32 @!p2 v2, $0x3;
	v0 =	vor.u32 @!p2 v0, v1;
	v1 =	vand.u32 @!p2 $0x7, v2  }
0x5f: {  	v3 =	vmul.u32 @!p2 $0x8, v3;
	v4 =	vperm.xlane @!p2 v0, v1  }
0x60: {  	v2 =	vor.u32 @!p2 $0x8, v2  }
0x61: {  	v0 =	vperm.xlane @!p2 v0, v2;
	v4 =	vadd.s32 @!p2 v3, v4;
	_ =	sdelay $0x1  }
0x62: {  	v0 =	vadd.s32 @!p2 v3, v0;
	_ =	sdelay $0x1  }
0x63: {  	s21 =	simm.s32 @!p2 $0x100  }
0x64: {  	[tilespmem:s21], [sflag:$0x1] =	stream.indirect_vreg.gather @!p2 [hbm4b:s3+s19], $0x80, v4, vm2, $0xb8;
	[tilespmem:$0x7900] =	vst v63  }
0x65: {  	s22 =	simm.s32 @!p2 $0x900  }
0x66: {  	[tilespmem:s22], [sflag:$0x1] =	stream.indirect_vreg.gather @!p2 [hbm4b:s3+s19], $0x80, v0, vm2, $0xb8;
	[tilespmem:$0x7900] =	vst v63  }
0x67: {  	v0 =	vld @!p2 [tilespmem:$0x10];
	_ =	sdelay $0x4  }
0x68: {  	v4 =	vshll.u32 @!p2 v0, $0x1  }
0x69: {  	v0 =	vand.u32 @!p2 $0x7, v0;
	v4 =	vand.u32 @!p2 $0xFFFFFFF0, v4  }
0x6a: {  	v0 =	vor.u32 @!p2 v0, v4  }
0x6b: {  	v1 =	vperm.xlane @!p2 v0, v1;
	_ =	sdelay $0x1  }
0x6c: {  	v0 =	vperm.xlane @!p2 v0, v2;
	v1 =	vadd.s32 @!p2 v3, v1;
	_ =	sdelay $0x1  }
0x6d: {  	v0 =	vadd.s32 @!p2 v3, v0;
	_ =	sdelay $0x1  }
0x6e: {  	s22 =	simm.s32 @!p2 $0x1100  }
0x6f: {  	[tilespmem:s22], [sflag:$0x1] =	stream.indirect_vreg.gather @!p2 [hbm4b:s3+s19], $0x80, v1, vm2, $0xb8;
	[tilespmem:$0x7900] =	vst v63  }
0x70: {  	s22 =	simm.s32 @!p2 $0x1900  }
0x71: {  	[tilespmem:s22], [sflag:$0x1] =	stream.indirect_vreg.gather @!p2 [hbm4b:s3+s19], $0x80, v0, vm2, $0xb8;
	[tilespmem:$0x7900] =	vst v63  }
0x72: {  	s22 =	simm.s32 @!p2 $0x1  }
0x73: {  	_ =	swait.ge @!p2 [sflag:s22], $0x2000  }
0x74: {  	[sflag:s22] =	ssyncset.done @!p2 $0x0  }
.Ltmp3:
0x75: {  	[sflag:s22] =	ssyncadd.s32 @!p2 $0xFFFFE000;
	(pc) =	sbr.rel .LBB2_4-.Ltmp3, $4  }
0x76: {  	[hbm4b:s8+s19] =	stream.linear.scatter @!p2 [tilespmem:s21], [sflag:$0x2], $0x2000, $0x38;
	[tilespmem:$0x7900] =	vst v63  }
0x77: {  	_ =	swait.ge @!p2 [sflag:s20], $0x2000  }
0x78: {  	[sflag:s20] =	ssyncset.done @!p2 $0x0  }
0x79: {  	[sflag:s20] =	ssyncadd.s32 @!p2 $0xFFFFE000  }
.LBB2_5:
0x7a: {  	_ =	sfence.sel $0x180000  }
0x7b: {  	[bflag:$0x0] =	sbarrier.arrive $0xFFFF  }
0x7c: {  	p0 =	sne.s32 s7, $0x0;
	_ =	strace $0x90000047  }
0x7d: {  	s0 =	sadd.s32 @!p0 $0x100000, s1;
	[bflag:$0x2] =	sbarrier.arrive $0xFFFF  }
0x7e: {  	[sflag:s0] =	ssyncadd.tile.s32 @!p0 $0x1;
	_ =	shalt  }
.Lfunc_end2:
_tile_overlayer_lowered:
.L_overlay_start_2:
0x7f: {  	(tag) =	ssettag $0x2  }
0x80: {  	s0 =	rddreg [dreg:$0x0];
	s2 =	stileid.u32  }
0x81: {  	s1 =	rddreg [dreg:$0x1];
	p0 =	sne.s32 s2, $0x0  }
0x82: {  	s3 =	rddreg [dreg:$0x2];
	[bflag:$0x3] =	sbarrier.arrive $0xFFFF;
	s2 =	simm.s32 @!p0 $0x1C02  }
0x83: {  	[timem:s3], [sflag:s2] =	dma.local @!p0 [hbm:s0], s1  }
0x84: {  	s0 =	simm.s32 @!p0 $0x2  }
0x85: {  	_ =	swait.ge @!p0 [sflag:s0], s1  }
0x86: {  	s1 =	ssub.s32 @!p0 $0x0, s1;
	[sflag:s0] =	ssyncset.done @!p0 $0x0  }
0x87: {  	[sflag:s0] =	ssyncadd.s32 @!p0 s1  }
0x88: {  	[bflag:$0x3] =	sbarrier.arrive $0xFFFF  }
0x89: {  	_ =	shalt  }

</sc_bundles>
